<compile_context>
chip_gen: v7x
topology: tpu7x:2x2x1
jax: 0.10.2.dev20260603
libtpu: 0.0.44.dev20260713+nightly
codegen_flags: <defaults>
</compile_context>

<pallas_src>
import functools

import jax
import jax.numpy as jnp
from jax import lax
from jax.experimental import pallas as pl
from jax.experimental.pallas import tpu as pltpu
from jax.experimental.pallas import tpu_sc as plsc

_B = 16384
_D_IN = 768
_D_H = 2048
_D_E = 256
_K = 1024
_L = 3
_COMMIT = 0.25

_BM1 = 512
_NB1 = _B // _BM1
_BM3 = 1024
_NB3 = _B // _BM3

_NW = 32
_RP = _B // _NW
_GP = 16
_NG = _RP // _GP


def _enc_body(x_ref, w1_ref, b1_ref, w2_ref, b2_ref, cbt_ref, cbt2_ref,
              g_ref, sg_ref, res0_ref, g01_ref, g02_ref, g12_ref, c2_ref):
    i = pl.program_id(0)

    @pl.when(i == 0)
    def _pre():
        for l in range(_L):
            cbt32 = cbt_ref[l].astype(jnp.float32)
            c2_ref[l] = jnp.sum(cbt32 * cbt32, axis=0, keepdims=True)
        cc = (((0,), (0,)), ((), ()))
        g01_ref[...] = lax.dot_general(cbt2_ref[0], cbt_ref[1], cc,
                                       preferred_element_type=jnp.float32)
        g02_ref[...] = lax.dot_general(cbt2_ref[0], cbt_ref[2], cc,
                                       preferred_element_type=jnp.float32)
        g12_ref[...] = lax.dot_general(cbt2_ref[1], cbt_ref[2], cc,
                                       preferred_element_type=jnp.float32)

    xb = x_ref[...].astype(jnp.bfloat16)
    h = jnp.maximum(
        jnp.dot(xb, w1_ref[...], preferred_element_type=jnp.float32)
        + b1_ref[...], 0.0)
    res0 = (jnp.dot(h.astype(jnp.bfloat16), w2_ref[...],
                    preferred_element_type=jnp.float32)
            + b2_ref[...])
    res0_ref[...] = res0
    rb = res0.astype(jnp.bfloat16)
    for l in range(_L):
        sg_ref[l] = (jnp.dot(rb, cbt2_ref[l],
                             preferred_element_type=jnp.float32)
                     - c2_ref[l] + g_ref[l])


def _sc_body(sg, g01, g02, g12, cb0, cb1, cb2, e_out,
             sbuf, grA, grB, i0, i1, i2, crow, sem):
    wid = lax.axis_index("s") * 2 + lax.axis_index("c")
    lane = lax.iota(jnp.int32, 16)

    def argmax_into(subs, iref):
        neg = jnp.full((16,), -3.0e38, jnp.float32)
        zero = jnp.zeros((16,), jnp.int32)

        def jbody(j, c):
            m16, i16 = c
            jv = jnp.full((16,), j, jnp.int32)
            v = plsc.load_gather(sbuf, [lane, jv])
            for sb in subs:
                v = v - plsc.load_gather(sb, [lane, jv])
            upd = v > m16
            m16 = jnp.where(upd, v, m16)
            i16 = jnp.where(upd, jv, i16)
            return (m16, i16)

        _, i16 = lax.fori_loop(0, _K, jbody, (neg, zero))
        iref[...] = i16

    def group(gi, carry):
        base = wid * _RP + gi * _GP
        pltpu.sync_copy(sg.at[0, pl.ds(base, _GP)], sbuf)
        argmax_into([], i0)
        pltpu.async_copy(g01.at[i0], grA, sem).wait()
        pltpu.sync_copy(sg.at[1, pl.ds(base, _GP)], sbuf)
        argmax_into([grA], i1)
        pltpu.async_copy(g02.at[i0], grA, sem).wait()
        pltpu.async_copy(g12.at[i1], grB, sem).wait()
        pltpu.sync_copy(sg.at[2, pl.ds(base, _GP)], sbuf)
        argmax_into([grA, grB], i2)
        pltpu.async_copy(cb0.at[i0], crow, sem).wait()
        pltpu.sync_copy(crow, e_out.at[0, pl.ds(base, _GP)])
        pltpu.async_copy(cb1.at[i1], crow, sem).wait()
        pltpu.sync_copy(crow, e_out.at[1, pl.ds(base, _GP)])
        pltpu.async_copy(cb2.at[i2], crow, sem).wait()
        pltpu.sync_copy(crow, e_out.at[2, pl.ds(base, _GP)])
        return carry

    lax.fori_loop(0, _NG, group, 0)


def _dec_body(x_ref, res0_ref, e_ref, dw1_ref, db1_ref, dw2_ref, db2_ref,
              out_ref):
    i = pl.program_id(0)
    x = x_ref[...]
    e0 = e_ref[0]
    e1 = e_ref[1]
    e2 = e_ref[2]
    res1 = res0_ref[...] - e0
    res2 = res1 - e1
    res3 = res2 - e2
    rq = (jnp.sum(res1 * res1, axis=1, keepdims=True)
          + jnp.sum(res2 * res2, axis=1, keepdims=True)
          + jnp.sum(res3 * res3, axis=1, keepdims=True))
    emb_sum = e0 + e1 + e2
    h2 = jnp.maximum(
        jnp.dot(emb_sum.astype(jnp.bfloat16), dw1_ref[...],
                preferred_element_type=jnp.float32)
        + db1_ref[...], 0.0)
    x_hat = (jnp.dot(h2.astype(jnp.bfloat16), dw2_ref[...],
                     preferred_element_type=jnp.float32)
             + db2_ref[...])
    d = x_hat - x
    recon = jnp.sum(d * d, axis=1, keepdims=True)
    part = jnp.sum(recon + (1.0 + _COMMIT) * rq)

    @pl.when(i == 0)
    def _init():
        out_ref[...] = jnp.zeros_like(out_ref)

    out_ref[...] += part.reshape(1, 1)


def kernel(x, enc_W1, enc_b1, enc_W2, enc_b2,
           dec_W1, dec_b1, dec_W2, dec_b2, codebooks, gumbel, gumbel_t):
    del gumbel_t
    cbt = jnp.transpose(codebooks, (0, 2, 1)).astype(jnp.bfloat16)
    cbt2 = jnp.transpose(2.0 * codebooks, (0, 2, 1)).astype(jnp.bfloat16)
    enc_W1 = enc_W1.astype(jnp.bfloat16)
    enc_W2 = enc_W2.astype(jnp.bfloat16)
    dec_W1b = dec_W1.astype(jnp.bfloat16)
    dec_W2b = dec_W2.astype(jnp.bfloat16)

    sg, res0, g01, g02, g12 = pl.pallas_call(
        _enc_body,
        grid=(_NB1,),
        in_specs=[
            pl.BlockSpec((_BM1, _D_IN), lambda i: (i, 0)),
            pl.BlockSpec((_D_IN, _D_H), lambda i: (0, 0)),
            pl.BlockSpec((1, _D_H), lambda i: (0, 0)),
            pl.BlockSpec((_D_H, _D_E), lambda i: (0, 0)),
            pl.BlockSpec((1, _D_E), lambda i: (0, 0)),
            pl.BlockSpec((_L, _D_E, _K), lambda i: (0, 0, 0)),
            pl.BlockSpec((_L, _D_E, _K), lambda i: (0, 0, 0)),
            pl.BlockSpec((_L, _BM1, _K), lambda i: (0, i, 0)),
        ],
        out_specs=[
            pl.BlockSpec((_L, _BM1, _K), lambda i: (0, i, 0)),
            pl.BlockSpec((_BM1, _D_E), lambda i: (i, 0)),
            pl.BlockSpec((_K, _K), lambda i: (0, 0)),
            pl.BlockSpec((_K, _K), lambda i: (0, 0)),
            pl.BlockSpec((_K, _K), lambda i: (0, 0)),
        ],
        out_shape=[
            jax.ShapeDtypeStruct((_L, _B, _K), jnp.float32),
            jax.ShapeDtypeStruct((_B, _D_E), jnp.float32),
            jax.ShapeDtypeStruct((_K, _K), jnp.float32),
            jax.ShapeDtypeStruct((_K, _K), jnp.float32),
            jax.ShapeDtypeStruct((_K, _K), jnp.float32),
        ],
        scratch_shapes=[pltpu.VMEM((_L, 1, _K), jnp.float32)],
        compiler_params=pltpu.CompilerParams(
            dimension_semantics=("arbitrary",),
        ),
    )(x, enc_W1, enc_b1.reshape(1, _D_H), enc_W2, enc_b2.reshape(1, _D_E),
      cbt, cbt2, gumbel)

    sc_quant = functools.partial(
        pl.kernel,
        out_type=jax.ShapeDtypeStruct((_L, _B, _D_E), jnp.float32),
        mesh=plsc.VectorSubcoreMesh(core_axis_name="c",
                                    subcore_axis_name="s"),
        scratch_types=[
            pltpu.VMEM((_GP, _K), jnp.float32),
            pltpu.VMEM((_GP, _K), jnp.float32),
            pltpu.VMEM((_GP, _K), jnp.float32),
            pltpu.VMEM((_GP,), jnp.int32),
            pltpu.VMEM((_GP,), jnp.int32),
            pltpu.VMEM((_GP,), jnp.int32),
            pltpu.VMEM((_GP, _D_E), jnp.float32),
            pltpu.SemaphoreType.DMA,
        ],
        compiler_params=pltpu.CompilerParams(use_tc_tiling_on_sc=False,
                                             needs_layout_passes=False),
    )(_sc_body)
    e = sc_quant(sg, g01, g02, g12,
                 codebooks[0], codebooks[1], codebooks[2])

    total = pl.pallas_call(
        _dec_body,
        grid=(_NB3,),
        in_specs=[
            pl.BlockSpec((_BM3, _D_IN), lambda i: (i, 0)),
            pl.BlockSpec((_BM3, _D_E), lambda i: (i, 0)),
            pl.BlockSpec((_L, _BM3, _D_E), lambda i: (0, i, 0)),
            pl.BlockSpec((_D_E, _D_H), lambda i: (0, 0)),
            pl.BlockSpec((1, _D_H), lambda i: (0, 0)),
            pl.BlockSpec((_D_H, _D_IN), lambda i: (0, 0)),
            pl.BlockSpec((1, _D_IN), lambda i: (0, 0)),
        ],
        out_specs=pl.BlockSpec((1, 1), lambda i: (0, 0)),
        out_shape=jax.ShapeDtypeStruct((1, 1), jnp.float32),
        compiler_params=pltpu.CompilerParams(
            dimension_semantics=("arbitrary",),
        ),
    )(x, res0, e, dec_W1b, dec_b1.reshape(1, _D_H),
      dec_W2b, dec_b2.reshape(1, _D_IN))
    return total[0, 0] / _B

# --- scband reference (transcript-rebuilt; emitter-appended) ---
"""Pipeline reference for scband-rq-vae-15135464751617 (READ-ONLY COPY).

The authoritative reference and input builder live on the scoring server;
editing this copy changes nothing except your own understanding.
"""

import jax, jax.numpy as jnp
import numpy as np

B = 16384
INPUT_DIM = 768
HIDDEN_DIM = 2048
EMBED_DIM = 256
CODEBOOK_SIZE = 1024
N_LAYERS = 3
COMMITMENT = 0.25


def setup_inputs(seed: int = 0) -> dict:
    key = jax.random.key(seed)
    ks = jax.random.split(key, 12)
    s = 0.02
    x = jax.random.normal(ks[0], (B, INPUT_DIM), dtype=jnp.float32)
    enc_W1 = jax.random.normal(ks[1], (INPUT_DIM, HIDDEN_DIM), dtype=jnp.float32) * s
    enc_b1 = jnp.zeros((HIDDEN_DIM,), dtype=jnp.float32)
    enc_W2 = jax.random.normal(ks[2], (HIDDEN_DIM, EMBED_DIM), dtype=jnp.float32) * s
    enc_b2 = jnp.zeros((EMBED_DIM,), dtype=jnp.float32)
    dec_W1 = jax.random.normal(ks[3], (EMBED_DIM, HIDDEN_DIM), dtype=jnp.float32) * s
    dec_b1 = jnp.zeros((HIDDEN_DIM,), dtype=jnp.float32)
    dec_W2 = jax.random.normal(ks[4], (HIDDEN_DIM, INPUT_DIM), dtype=jnp.float32) * s
    dec_b2 = jnp.zeros((INPUT_DIM,), dtype=jnp.float32)
    codebooks = jax.random.normal(ks[5], (N_LAYERS, CODEBOOK_SIZE, EMBED_DIM), dtype=jnp.float32) * s
    gumbel = -jnp.log(-jnp.log(jax.random.uniform(ks[6], (N_LAYERS, B, CODEBOOK_SIZE), minval=1e-9, maxval=1.0)))
    return {
        'x': x,
        'enc_W1': enc_W1, 'enc_b1': enc_b1, 'enc_W2': enc_W2, 'enc_b2': enc_b2,
        'dec_W1': dec_W1, 'dec_b1': dec_b1, 'dec_W2': dec_W2, 'dec_b2': dec_b2,
        'codebooks': codebooks,
        'gumbel': gumbel,
        'gumbel_t': jnp.float32(0.001),
    }


def _mlp(x, W1, b1, W2, b2):
    h = jnp.maximum(x @ W1 + b1, 0.0)
    return h @ W2 + b2


def _quantize(res, cb, g, tau):
    # squared euclidean distances to codebook entries
    dist = (jnp.sum(res * res, axis=-1, keepdims=True)
            - 2.0 * (res @ cb.T)
            + jnp.sum(cb * cb, axis=-1)[None, :])
    logits = -dist
    y_soft = jax.nn.softmax((logits + g) / tau, axis=-1)
    ids = jnp.argmax(y_soft, axis=-1)
    y_hard = jax.nn.one_hot(ids, cb.shape[0], dtype=res.dtype)
    # straight-through gumbel-softmax
    w = y_hard + y_soft - jax.lax.stop_gradient(y_soft)
    emb = w @ cb
    return emb, ids


def reference(x, enc_W1, enc_b1, enc_W2, enc_b2, dec_W1, dec_b1, dec_W2, dec_b2, codebooks, gumbel, gumbel_t):
    res = _mlp(x, enc_W1, enc_b1, enc_W2, enc_b2)
    embs, residuals = [], []
    for i in range(N_LAYERS):
        residuals.append(res)
        emb, ids = _quantize(res, codebooks[i], gumbel[i], gumbel_t)
        res = res - emb
        embs.append(emb)
    embs_st = jnp.stack(embs, axis=-1)           # [B, D, L]
    residuals_st = jnp.stack(residuals, axis=-1)  # [B, D, L]
    x_hat = _mlp(jnp.sum(embs_st, axis=-1), dec_W1, dec_b1, dec_W2, dec_b2)
    recon_loss = jnp.sum((x_hat - x) ** 2, axis=-1)  # [B]
    sg = jax.lax.stop_gradient
    rq_loss = jnp.sum((sg(residuals_st) - embs_st) ** 2 + COMMITMENT * (residuals_st - sg(embs_st)) ** 2, axis=(1, 2))  # [B]
    loss = jnp.mean(recon_loss + rq_loss)
    return loss

if __name__ == "__main__":
    import jax
    _d = setup_inputs()
    print(jax.jit(kernel)(*tuple(_d.values())))

</pallas_src>

<mosaic_0001>
#map = affine_map<(d0, d1) -> (0, 0, 0)>
#map1 = affine_map<(d0, d1) -> (0, 0)>
module attributes {stable_mosaic.version = 14 : i64} {
  func.func @_sc_body(%arg0: i32, %arg1: i32, %arg2: memref<3x16384x1024xf32, #tpu.memory_space<hbm>>, %arg3: memref<1024x1024xf32, #tpu.memory_space<hbm>>, %arg4: memref<1024x1024xf32, #tpu.memory_space<hbm>>, %arg5: memref<1024x1024xf32, #tpu.memory_space<hbm>>, %arg6: memref<1024x256xf32, #tpu.memory_space<hbm>>, %arg7: memref<1024x256xf32, #tpu.memory_space<hbm>>, %arg8: memref<1024x256xf32, #tpu.memory_space<hbm>>, %arg9: memref<3x16384x256xf32, #tpu.memory_space<hbm>>, %arg10: memref<16x1024xf32, #tpu.memory_space<vmem>>, %arg11: memref<16x1024xf32, #tpu.memory_space<vmem>>, %arg12: memref<16x1024xf32, #tpu.memory_space<vmem>>, %arg13: memref<16xi32, #tpu.memory_space<vmem>>, %arg14: memref<16xi32, #tpu.memory_space<vmem>>, %arg15: memref<16xi32, #tpu.memory_space<vmem>>, %arg16: memref<16x256xf32, #tpu.memory_space<vmem>>, %arg17: memref<!tpu.dma_semaphore, #tpu.memory_space<semaphore_mem>>) attributes {dimension_semantics = [#tpu.dimension_semantics<core_parallel>, #tpu.dimension_semantics<subcore_parallel>], iteration_bounds = array<i64: 2, 16>, scalar_prefetch = 0 : i64, scratch_operands = 8 : i64, tpu.core_type = #tpu.core_type<sc_vector_subcore>, window_params = [{transform_indices = #map}, {transform_indices = #map1}, {transform_indices = #map1}, {transform_indices = #map1}, {transform_indices = #map1}, {transform_indices = #map1}, {transform_indices = #map1}, {transform_indices = #map}]} {
    %mul3A = arith.constant 2 : i32
    %mul3A_0 = arith.muli %arg1, %mul3A : i32
    %add3A = arith.addi %mul3A_0, %arg0 : i32
    %iota3A = tpu.iota {dimensions = array<i32: 0>} : vector<16xi32>
    %scan3A = arith.constant 0 : i32
    %scan3A_1 = arith.constant 0 : i32
    %scan3A_2 = arith.constant 32 : i32
    %scan3A_3 = arith.addi %scan3A_1, %scan3A_2 : i32
    %scan3A_4 = arith.constant 1 : i32
    scf.for %scan3A_6 = %scan3A_1 to %scan3A_3 step %scan3A_4  : i32 {
      %mul3A_7 = arith.constant 512 : i32
      %mul3A_8 = arith.muli %add3A, %mul3A_7 : i32
      %mul3A_9 = arith.constant 16 : i32
      %mul3A_10 = arith.muli %scan3A_6, %mul3A_9 : i32
      %add3A_11 = arith.addi %mul3A_8, %mul3A_10 : i32
      %run_scoped3A = arith.constant 0 : i32
      "tpu.region"() ({
        %run_scoped3A_85 = tpu.sem_alloc : memref<!tpu.dma_semaphore, #tpu.memory_space<semaphore_mem>>
        %dma_start3A_86 = arith.constant 0 : i32
        %dma_start3A_87 = tpu.memref_slice %arg2[%run_scoped3A, %add3A_11, %dma_start3A_86] : memref<3x16384x1024xf32, #tpu.memory_space<hbm>> -> memref<1x16x1024xf32, #tpu.memory_space<hbm>>
        %dma_start3A_88 = tpu.memref_squeeze %dma_start3A_87 : memref<1x16x1024xf32, #tpu.memory_space<hbm>> -> memref<16x1024xf32, #tpu.memory_space<hbm>>
        %dma_start3A_89 = arith.constant 0 : i32
        %dma_start3A_90 = tpu.memref_slice %arg2[%run_scoped3A, %add3A_11, %dma_start3A_89] : memref<3x16384x1024xf32, #tpu.memory_space<hbm>> -> memref<1x16x1024xf32, #tpu.memory_space<hbm>>
        %dma_start3A_91 = tpu.memref_squeeze %dma_start3A_90 : memref<1x16x1024xf32, #tpu.memory_space<hbm>> -> memref<16x1024xf32, #tpu.memory_space<hbm>>
        tpu.enqueue_dma source(%dma_start3A_91 : memref<16x1024xf32, #tpu.memory_space<hbm>>) target(%arg10 : memref<16x1024xf32, #tpu.memory_space<vmem>>) target_semaphore(%run_scoped3A_85 : memref<!tpu.dma_semaphore, #tpu.memory_space<semaphore_mem>>)
        %dma_wait3A_92 = arith.constant 0 : i32
        %dma_wait3A_93 = tpu.memref_slice %arg2[%run_scoped3A, %add3A_11, %dma_wait3A_92] : memref<3x16384x1024xf32, #tpu.memory_space<hbm>> -> memref<1x16x1024xf32, #tpu.memory_space<hbm>>
        %dma_wait3A_94 = tpu.memref_squeeze %dma_wait3A_93 : memref<1x16x1024xf32, #tpu.memory_space<hbm>> -> memref<16x1024xf32, #tpu.memory_space<hbm>>
        %dma_wait3A_95 = arith.constant 0 : i32
        %dma_wait3A_96 = tpu.memref_slice %arg2[%run_scoped3A, %add3A_11, %dma_wait3A_95] : memref<3x16384x1024xf32, #tpu.memory_space<hbm>> -> memref<1x16x1024xf32, #tpu.memory_space<hbm>>
        %dma_wait3A_97 = tpu.memref_squeeze %dma_wait3A_96 : memref<1x16x1024xf32, #tpu.memory_space<hbm>> -> memref<16x1024xf32, #tpu.memory_space<hbm>>
        tpu.wait_dma2 semaphore(%run_scoped3A_85 : memref<!tpu.dma_semaphore, #tpu.memory_space<semaphore_mem>>) src(%dma_wait3A_97 : memref<16x1024xf32, #tpu.memory_space<hbm>>) dst(%arg10 : memref<16x1024xf32, #tpu.memory_space<vmem>>)
        tpu.yield
      }) : () -> ()
      %broadcast_in_dim3A = arith.constant -3.000000e+38 : f32
      %broadcast_in_dim3A_12 = vector.broadcast %broadcast_in_dim3A : f32 to vector<16xf32>
      %broadcast_in_dim3A_13 = arith.constant 0 : i32
      %broadcast_in_dim3A_14 = vector.broadcast %broadcast_in_dim3A_13 : i32 to vector<16xi32>
      %scan3A_15 = arith.constant 0 : i32
      %scan3A_16 = arith.constant 1024 : i32
      %scan3A_17 = arith.addi %scan3A_15, %scan3A_16 : i32
      %scan3A_18 = arith.constant 1 : i32
      %scan3A_19:2 = scf.for %scan3A_85 = %scan3A_15 to %scan3A_17 step %scan3A_18 iter_args(%scan3A_86 = %broadcast_in_dim3A_12, %scan3A_87 = %broadcast_in_dim3A_14) -> (vector<16xf32>, vector<16xi32>)  : i32 {
        %broadcast_in_dim3A_88 = vector.broadcast %scan3A_85 : i32 to vector<16xi32>
        %gather3A = tpu.vector_load_idx %arg10[%iota3A, %broadcast_in_dim3A_88] : memref<16x1024xf32, #tpu.memory_space<vmem>>[vector<16xi32>, vector<16xi32>], vector<16xf32>,
        %gt3A = arith.cmpf ogt, %gather3A, %scan3A_86 : vector<16xf32>
        %select_n3A = arith.select %gt3A, %gather3A, %scan3A_86 : vector<16xi1>, vector<16xf32>
        %select_n3A_89 = arith.select %gt3A, %broadcast_in_dim3A_88, %scan3A_87 : vector<16xi1>, vector<16xi32>
        scf.yield %select_n3A, %select_n3A_89 : vector<16xf32>, vector<16xi32>
      }
      %scan3A_20 = arith.constant 1024 : i32
      %swap3A = arith.constant 0 : index
      %swap3A_21 = tpu.vector_load %arg13[%swap3A] {strides = array<i32>} : memref<16xi32, #tpu.memory_space<vmem>>, vector<16xi32>,
      tpu.vector_store %arg13[%swap3A], %scan3A_19#1 {strides = array<i32>} : memref<16xi32, #tpu.memory_space<vmem>>, vector<16xi32>,
      %dma_start3A = arith.constant 0 : i32
      %dma_start3A_22 = arith.constant 0 : i32
      %dma_start3A_23 = tpu.memref_slice %arg3[%dma_start3A, %dma_start3A_22] : memref<1024x1024xf32, #tpu.memory_space<hbm>> -> memref<1024x1024xf32, #tpu.memory_space<hbm>>
      tpu.enqueue_indirect_dma source(%dma_start3A_23 : memref<1024x1024xf32, #tpu.memory_space<hbm>>) target(%arg11 : memref<16x1024xf32, #tpu.memory_space<vmem>>) offsets(%arg13 : memref<16xi32, #tpu.memory_space<vmem>>) semaphore(%arg17 : memref<!tpu.dma_semaphore, #tpu.memory_space<semaphore_mem>>)
      %dma_wait3A = arith.constant 0 : i32
      %dma_wait3A_24 = arith.constant 0 : i32
      %dma_wait3A_25 = tpu.memref_slice %arg3[%dma_wait3A, %dma_wait3A_24] : memref<1024x1024xf32, #tpu.memory_space<hbm>> -> memref<1024x1024xf32, #tpu.memory_space<hbm>>
      tpu.wait_indirect_dma semaphore(%arg17 : memref<!tpu.dma_semaphore, #tpu.memory_space<semaphore_mem>>) src(%dma_wait3A_25 : memref<1024x1024xf32, #tpu.memory_space<hbm>>) dst(%arg11 : memref<16x1024xf32, #tpu.memory_space<vmem>>)
      %run_scoped3A_26 = arith.constant 1 : i32
      "tpu.region"() ({
        %run_scoped3A_85 = tpu.sem_alloc : memref<!tpu.dma_semaphore, #tpu.memory_space<semaphore_mem>>
        %dma_start3A_86 = arith.constant 0 : i32
        %dma_start3A_87 = tpu.memref_slice %arg2[%run_scoped3A_26, %add3A_11, %dma_start3A_86] : memref<3x16384x1024xf32, #tpu.memory_space<hbm>> -> memref<1x16x1024xf32, #tpu.memory_space<hbm>>
        %dma_start3A_88 = tpu.memref_squeeze %dma_start3A_87 : memref<1x16x1024xf32, #tpu.memory_space<hbm>> -> memref<16x1024xf32, #tpu.memory_space<hbm>>
        %dma_start3A_89 = arith.constant 0 : i32
        %dma_start3A_90 = tpu.memref_slice %arg2[%run_scoped3A_26, %add3A_11, %dma_start3A_89] : memref<3x16384x1024xf32, #tpu.memory_space<hbm>> -> memref<1x16x1024xf32, #tpu.memory_space<hbm>>
        %dma_start3A_91 = tpu.memref_squeeze %dma_start3A_90 : memref<1x16x1024xf32, #tpu.memory_space<hbm>> -> memref<16x1024xf32, #tpu.memory_space<hbm>>
        tpu.enqueue_dma source(%dma_start3A_91 : memref<16x1024xf32, #tpu.memory_space<hbm>>) target(%arg10 : memref<16x1024xf32, #tpu.memory_space<vmem>>) target_semaphore(%run_scoped3A_85 : memref<!tpu.dma_semaphore, #tpu.memory_space<semaphore_mem>>)
        %dma_wait3A_92 = arith.constant 0 : i32
        %dma_wait3A_93 = tpu.memref_slice %arg2[%run_scoped3A_26, %add3A_11, %dma_wait3A_92] : memref<3x16384x1024xf32, #tpu.memory_space<hbm>> -> memref<1x16x1024xf32, #tpu.memory_space<hbm>>
        %dma_wait3A_94 = tpu.memref_squeeze %dma_wait3A_93 : memref<1x16x1024xf32, #tpu.memory_space<hbm>> -> memref<16x1024xf32, #tpu.memory_space<hbm>>
        %dma_wait3A_95 = arith.constant 0 : i32
        %dma_wait3A_96 = tpu.memref_slice %arg2[%run_scoped3A_26, %add3A_11, %dma_wait3A_95] : memref<3x16384x1024xf32, #tpu.memory_space<hbm>> -> memref<1x16x1024xf32, #tpu.memory_space<hbm>>
        %dma_wait3A_97 = tpu.memref_squeeze %dma_wait3A_96 : memref<1x16x1024xf32, #tpu.memory_space<hbm>> -> memref<16x1024xf32, #tpu.memory_space<hbm>>
        tpu.wait_dma2 semaphore(%run_scoped3A_85 : memref<!tpu.dma_semaphore, #tpu.memory_space<semaphore_mem>>) src(%dma_wait3A_97 : memref<16x1024xf32, #tpu.memory_space<hbm>>) dst(%arg10 : memref<16x1024xf32, #tpu.memory_space<vmem>>)
        tpu.yield
      }) : () -> ()
      %broadcast_in_dim3A_27 = arith.constant -3.000000e+38 : f32
      %broadcast_in_dim3A_28 = vector.broadcast %broadcast_in_dim3A_27 : f32 to vector<16xf32>
      %broadcast_in_dim3A_29 = arith.constant 0 : i32
      %broadcast_in_dim3A_30 = vector.broadcast %broadcast_in_dim3A_29 : i32 to vector<16xi32>
      %scan3A_31 = arith.constant 0 : i32
      %scan3A_32 = arith.constant 1024 : i32
      %scan3A_33 = arith.addi %scan3A_31, %scan3A_32 : i32
      %scan3A_34 = arith.constant 1 : i32
      %scan3A_35:2 = scf.for %scan3A_85 = %scan3A_31 to %scan3A_33 step %scan3A_34 iter_args(%scan3A_86 = %broadcast_in_dim3A_28, %scan3A_87 = %broadcast_in_dim3A_30) -> (vector<16xf32>, vector<16xi32>)  : i32 {
        %broadcast_in_dim3A_88 = vector.broadcast %scan3A_85 : i32 to vector<16xi32>
        %gather3A = tpu.vector_load_idx %arg10[%iota3A, %broadcast_in_dim3A_88] : memref<16x1024xf32, #tpu.memory_space<vmem>>[vector<16xi32>, vector<16xi32>], vector<16xf32>,
        %gather3A_89 = tpu.vector_load_idx %arg11[%iota3A, %broadcast_in_dim3A_88] : memref<16x1024xf32, #tpu.memory_space<vmem>>[vector<16xi32>, vector<16xi32>], vector<16xf32>,
        %sub3A = arith.subf %gather3A, %gather3A_89 : vector<16xf32>
        %gt3A = arith.cmpf ogt, %sub3A, %scan3A_86 : vector<16xf32>
        %select_n3A = arith.select %gt3A, %sub3A, %scan3A_86 : vector<16xi1>, vector<16xf32>
        %select_n3A_90 = arith.select %gt3A, %broadcast_in_dim3A_88, %scan3A_87 : vector<16xi1>, vector<16xi32>
        scf.yield %select_n3A, %select_n3A_90 : vector<16xf32>, vector<16xi32>
      }
      %scan3A_36 = arith.constant 1024 : i32
      %swap3A_37 = arith.constant 0 : index
      %swap3A_38 = tpu.vector_load %arg14[%swap3A_37] {strides = array<i32>} : memref<16xi32, #tpu.memory_space<vmem>>, vector<16xi32>,
      tpu.vector_store %arg14[%swap3A_37], %scan3A_35#1 {strides = array<i32>} : memref<16xi32, #tpu.memory_space<vmem>>, vector<16xi32>,
      %dma_start3A_39 = arith.constant 0 : i32
      %dma_start3A_40 = arith.constant 0 : i32
      %dma_start3A_41 = tpu.memref_slice %arg4[%dma_start3A_39, %dma_start3A_40] : memref<1024x1024xf32, #tpu.memory_space<hbm>> -> memref<1024x1024xf32, #tpu.memory_space<hbm>>
      tpu.enqueue_indirect_dma source(%dma_start3A_41 : memref<1024x1024xf32, #tpu.memory_space<hbm>>) target(%arg11 : memref<16x1024xf32, #tpu.memory_space<vmem>>) offsets(%arg13 : memref<16xi32, #tpu.memory_space<vmem>>) semaphore(%arg17 : memref<!tpu.dma_semaphore, #tpu.memory_space<semaphore_mem>>)
      %dma_wait3A_42 = arith.constant 0 : i32
      %dma_wait3A_43 = arith.constant 0 : i32
      %dma_wait3A_44 = tpu.memref_slice %arg4[%dma_wait3A_42, %dma_wait3A_43] : memref<1024x1024xf32, #tpu.memory_space<hbm>> -> memref<1024x1024xf32, #tpu.memory_space<hbm>>
      tpu.wait_indirect_dma semaphore(%arg17 : memref<!tpu.dma_semaphore, #tpu.memory_space<semaphore_mem>>) src(%dma_wait3A_44 : memref<1024x1024xf32, #tpu.memory_space<hbm>>) dst(%arg11 : memref<16x1024xf32, #tpu.memory_space<vmem>>)
      %dma_start3A_45 = arith.constant 0 : i32
      %dma_start3A_46 = arith.constant 0 : i32
      %dma_start3A_47 = tpu.memref_slice %arg5[%dma_start3A_45, %dma_start3A_46] : memref<1024x1024xf32, #tpu.memory_space<hbm>> -> memref<1024x1024xf32, #tpu.memory_space<hbm>>
      tpu.enqueue_indirect_dma source(%dma_start3A_47 : memref<1024x1024xf32, #tpu.memory_space<hbm>>) target(%arg12 : memref<16x1024xf32, #tpu.memory_space<vmem>>) offsets(%arg14 : memref<16xi32, #tpu.memory_space<vmem>>) semaphore(%arg17 : memref<!tpu.dma_semaphore, #tpu.memory_space<semaphore_mem>>)
      %dma_wait3A_48 = arith.constant 0 : i32
      %dma_wait3A_49 = arith.constant 0 : i32
      %dma_wait3A_50 = tpu.memref_slice %arg5[%dma_wait3A_48, %dma_wait3A_49] : memref<1024x1024xf32, #tpu.memory_space<hbm>> -> memref<1024x1024xf32, #tpu.memory_space<hbm>>
      tpu.wait_indirect_dma semaphore(%arg17 : memref<!tpu.dma_semaphore, #tpu.memory_space<semaphore_mem>>) src(%dma_wait3A_50 : memref<1024x1024xf32, #tpu.memory_space<hbm>>) dst(%arg12 : memref<16x1024xf32, #tpu.memory_space<vmem>>)
      %run_scoped3A_51 = arith.constant 2 : i32
      "tpu.region"() ({
        %run_scoped3A_85 = tpu.sem_alloc : memref<!tpu.dma_semaphore, #tpu.memory_space<semaphore_mem>>
        %dma_start3A_86 = arith.constant 0 : i32
        %dma_start3A_87 = tpu.memref_slice %arg2[%run_scoped3A_51, %add3A_11, %dma_start3A_86] : memref<3x16384x1024xf32, #tpu.memory_space<hbm>> -> memref<1x16x1024xf32, #tpu.memory_space<hbm>>
        %dma_start3A_88 = tpu.memref_squeeze %dma_start3A_87 : memref<1x16x1024xf32, #tpu.memory_space<hbm>> -> memref<16x1024xf32, #tpu.memory_space<hbm>>
        %dma_start3A_89 = arith.constant 0 : i32
        %dma_start3A_90 = tpu.memref_slice %arg2[%run_scoped3A_51, %add3A_11, %dma_start3A_89] : memref<3x16384x1024xf32, #tpu.memory_space<hbm>> -> memref<1x16x1024xf32, #tpu.memory_space<hbm>>
        %dma_start3A_91 = tpu.memref_squeeze %dma_start3A_90 : memref<1x16x1024xf32, #tpu.memory_space<hbm>> -> memref<16x1024xf32, #tpu.memory_space<hbm>>
        tpu.enqueue_dma source(%dma_start3A_91 : memref<16x1024xf32, #tpu.memory_space<hbm>>) target(%arg10 : memref<16x1024xf32, #tpu.memory_space<vmem>>) target_semaphore(%run_scoped3A_85 : memref<!tpu.dma_semaphore, #tpu.memory_space<semaphore_mem>>)
        %dma_wait3A_92 = arith.constant 0 : i32
        %dma_wait3A_93 = tpu.memref_slice %arg2[%run_scoped3A_51, %add3A_11, %dma_wait3A_92] : memref<3x16384x1024xf32, #tpu.memory_space<hbm>> -> memref<1x16x1024xf32, #tpu.memory_space<hbm>>
        %dma_wait3A_94 = tpu.memref_squeeze %dma_wait3A_93 : memref<1x16x1024xf32, #tpu.memory_space<hbm>> -> memref<16x1024xf32, #tpu.memory_space<hbm>>
        %dma_wait3A_95 = arith.constant 0 : i32
        %dma_wait3A_96 = tpu.memref_slice %arg2[%run_scoped3A_51, %add3A_11, %dma_wait3A_95] : memref<3x16384x1024xf32, #tpu.memory_space<hbm>> -> memref<1x16x1024xf32, #tpu.memory_space<hbm>>
        %dma_wait3A_97 = tpu.memref_squeeze %dma_wait3A_96 : memref<1x16x1024xf32, #tpu.memory_space<hbm>> -> memref<16x1024xf32, #tpu.memory_space<hbm>>
        tpu.wait_dma2 semaphore(%run_scoped3A_85 : memref<!tpu.dma_semaphore, #tpu.memory_space<semaphore_mem>>) src(%dma_wait3A_97 : memref<16x1024xf32, #tpu.memory_space<hbm>>) dst(%arg10 : memref<16x1024xf32, #tpu.memory_space<vmem>>)
        tpu.yield
      }) : () -> ()
      %broadcast_in_dim3A_52 = arith.constant -3.000000e+38 : f32
      %broadcast_in_dim3A_53 = vector.broadcast %broadcast_in_dim3A_52 : f32 to vector<16xf32>
      %broadcast_in_dim3A_54 = arith.constant 0 : i32
      %broadcast_in_dim3A_55 = vector.broadcast %broadcast_in_dim3A_54 : i32 to vector<16xi32>
      %scan3A_56 = arith.constant 0 : i32
      %scan3A_57 = arith.constant 1024 : i32
      %scan3A_58 = arith.addi %scan3A_56, %scan3A_57 : i32
      %scan3A_59 = arith.constant 1 : i32
      %scan3A_60:2 = scf.for %scan3A_85 = %scan3A_56 to %scan3A_58 step %scan3A_59 iter_args(%scan3A_86 = %broadcast_in_dim3A_53, %scan3A_87 = %broadcast_in_dim3A_55) -> (vector<16xf32>, vector<16xi32>)  : i32 {
        %broadcast_in_dim3A_88 = vector.broadcast %scan3A_85 : i32 to vector<16xi32>
        %gather3A = tpu.vector_load_idx %arg10[%iota3A, %broadcast_in_dim3A_88] : memref<16x1024xf32, #tpu.memory_space<vmem>>[vector<16xi32>, vector<16xi32>], vector<16xf32>,
        %gather3A_89 = tpu.vector_load_idx %arg11[%iota3A, %broadcast_in_dim3A_88] : memref<16x1024xf32, #tpu.memory_space<vmem>>[vector<16xi32>, vector<16xi32>], vector<16xf32>,
        %sub3A = arith.subf %gather3A, %gather3A_89 : vector<16xf32>
        %gather3A_90 = tpu.vector_load_idx %arg12[%iota3A, %broadcast_in_dim3A_88] : memref<16x1024xf32, #tpu.memory_space<vmem>>[vector<16xi32>, vector<16xi32>], vector<16xf32>,
        %sub3A_91 = arith.subf %sub3A, %gather3A_90 : vector<16xf32>
        %gt3A = arith.cmpf ogt, %sub3A_91, %scan3A_86 : vector<16xf32>
        %select_n3A = arith.select %gt3A, %sub3A_91, %scan3A_86 : vector<16xi1>, vector<16xf32>
        %select_n3A_92 = arith.select %gt3A, %broadcast_in_dim3A_88, %scan3A_87 : vector<16xi1>, vector<16xi32>
        scf.yield %select_n3A, %select_n3A_92 : vector<16xf32>, vector<16xi32>
      }
      %scan3A_61 = arith.constant 1024 : i32
      %swap3A_62 = arith.constant 0 : index
      %swap3A_63 = tpu.vector_load %arg15[%swap3A_62] {strides = array<i32>} : memref<16xi32, #tpu.memory_space<vmem>>, vector<16xi32>,
      tpu.vector_store %arg15[%swap3A_62], %scan3A_60#1 {strides = array<i32>} : memref<16xi32, #tpu.memory_space<vmem>>, vector<16xi32>,
      %dma_start3A_64 = arith.constant 0 : i32
      %dma_start3A_65 = arith.constant 0 : i32
      %dma_start3A_66 = tpu.memref_slice %arg6[%dma_start3A_64, %dma_start3A_65] : memref<1024x256xf32, #tpu.memory_space<hbm>> -> memref<1024x256xf32, #tpu.memory_space<hbm>>
      tpu.enqueue_indirect_dma source(%dma_start3A_66 : memref<1024x256xf32, #tpu.memory_space<hbm>>) target(%arg16 : memref<16x256xf32, #tpu.memory_space<vmem>>) offsets(%arg13 : memref<16xi32, #tpu.memory_space<vmem>>) semaphore(%arg17 : memref<!tpu.dma_semaphore, #tpu.memory_space<semaphore_mem>>)
      %dma_wait3A_67 = arith.constant 0 : i32
      %dma_wait3A_68 = arith.constant 0 : i32
      %dma_wait3A_69 = tpu.memref_slice %arg6[%dma_wait3A_67, %dma_wait3A_68] : memref<1024x256xf32, #tpu.memory_space<hbm>> -> memref<1024x256xf32, #tpu.memory_space<hbm>>
      tpu.wait_indirect_dma semaphore(%arg17 : memref<!tpu.dma_semaphore, #tpu.memory_space<semaphore_mem>>) src(%dma_wait3A_69 : memref<1024x256xf32, #tpu.memory_space<hbm>>) dst(%arg16 : memref<16x256xf32, #tpu.memory_space<vmem>>)
      %run_scoped3A_70 = arith.constant 0 : i32
      "tpu.region"() ({
        %run_scoped3A_85 = tpu.sem_alloc : memref<!tpu.dma_semaphore, #tpu.memory_space<semaphore_mem>>
        %dma_start3A_86 = arith.constant 0 : i32
        %dma_start3A_87 = tpu.memref_slice %arg9[%run_scoped3A_70, %add3A_11, %dma_start3A_86] : memref<3x16384x256xf32, #tpu.memory_space<hbm>> -> memref<1x16x256xf32, #tpu.memory_space<hbm>>
        %dma_start3A_88 = tpu.memref_squeeze %dma_start3A_87 : memref<1x16x256xf32, #tpu.memory_space<hbm>> -> memref<16x256xf32, #tpu.memory_space<hbm>>
        %dma_start3A_89 = arith.constant 0 : i32
        %dma_start3A_90 = tpu.memref_slice %arg9[%run_scoped3A_70, %add3A_11, %dma_start3A_89] : memref<3x16384x256xf32, #tpu.memory_space<hbm>> -> memref<1x16x256xf32, #tpu.memory_space<hbm>>
        %dma_start3A_91 = tpu.memref_squeeze %dma_start3A_90 : memref<1x16x256xf32, #tpu.memory_space<hbm>> -> memref<16x256xf32, #tpu.memory_space<hbm>>
        tpu.enqueue_dma source(%arg16 : memref<16x256xf32, #tpu.memory_space<vmem>>) target(%dma_start3A_91 : memref<16x256xf32, #tpu.memory_space<hbm>>) target_semaphore(%run_scoped3A_85 : memref<!tpu.dma_semaphore, #tpu.memory_space<semaphore_mem>>)
        %dma_wait3A_92 = arith.constant 0 : i32
        %dma_wait3A_93 = tpu.memref_slice %arg9[%run_scoped3A_70, %add3A_11, %dma_wait3A_92] : memref<3x16384x256xf32, #tpu.memory_space<hbm>> -> memref<1x16x256xf32, #tpu.memory_space<hbm>>
        %dma_wait3A_94 = tpu.memref_squeeze %dma_wait3A_93 : memref<1x16x256xf32, #tpu.memory_space<hbm>> -> memref<16x256xf32, #tpu.memory_space<hbm>>
        %dma_wait3A_95 = arith.constant 0 : i32
        %dma_wait3A_96 = tpu.memref_slice %arg9[%run_scoped3A_70, %add3A_11, %dma_wait3A_95] : memref<3x16384x256xf32, #tpu.memory_space<hbm>> -> memref<1x16x256xf32, #tpu.memory_space<hbm>>
        %dma_wait3A_97 = tpu.memref_squeeze %dma_wait3A_96 : memref<1x16x256xf32, #tpu.memory_space<hbm>> -> memref<16x256xf32, #tpu.memory_space<hbm>>
        tpu.wait_dma2 semaphore(%run_scoped3A_85 : memref<!tpu.dma_semaphore, #tpu.memory_space<semaphore_mem>>) src(%arg16 : memref<16x256xf32, #tpu.memory_space<vmem>>) dst(%dma_wait3A_97 : memref<16x256xf32, #tpu.memory_space<hbm>>)
        tpu.yield
      }) : () -> ()
      %dma_start3A_71 = arith.constant 0 : i32
      %dma_start3A_72 = arith.constant 0 : i32
      %dma_start3A_73 = tpu.memref_slice %arg7[%dma_start3A_71, %dma_start3A_72] : memref<1024x256xf32, #tpu.memory_space<hbm>> -> memref<1024x256xf32, #tpu.memory_space<hbm>>
      tpu.enqueue_indirect_dma source(%dma_start3A_73 : memref<1024x256xf32, #tpu.memory_space<hbm>>) target(%arg16 : memref<16x256xf32, #tpu.memory_space<vmem>>) offsets(%arg14 : memref<16xi32, #tpu.memory_space<vmem>>) semaphore(%arg17 : memref<!tpu.dma_semaphore, #tpu.memory_space<semaphore_mem>>)
      %dma_wait3A_74 = arith.constant 0 : i32
      %dma_wait3A_75 = arith.constant 0 : i32
      %dma_wait3A_76 = tpu.memref_slice %arg7[%dma_wait3A_74, %dma_wait3A_75] : memref<1024x256xf32, #tpu.memory_space<hbm>> -> memref<1024x256xf32, #tpu.memory_space<hbm>>
      tpu.wait_indirect_dma semaphore(%arg17 : memref<!tpu.dma_semaphore, #tpu.memory_space<semaphore_mem>>) src(%dma_wait3A_76 : memref<1024x256xf32, #tpu.memory_space<hbm>>) dst(%arg16 : memref<16x256xf32, #tpu.memory_space<vmem>>)
      %run_scoped3A_77 = arith.constant 1 : i32
      "tpu.region"() ({
        %run_scoped3A_85 = tpu.sem_alloc : memref<!tpu.dma_semaphore, #tpu.memory_space<semaphore_mem>>
        %dma_start3A_86 = arith.constant 0 : i32
        %dma_start3A_87 = tpu.memref_slice %arg9[%run_scoped3A_77, %add3A_11, %dma_start3A_86] : memref<3x16384x256xf32, #tpu.memory_space<hbm>> -> memref<1x16x256xf32, #tpu.memory_space<hbm>>
        %dma_start3A_88 = tpu.memref_squeeze %dma_start3A_87 : memref<1x16x256xf32, #tpu.memory_space<hbm>> -> memref<16x256xf32, #tpu.memory_space<hbm>>
        %dma_start3A_89 = arith.constant 0 : i32
        %dma_start3A_90 = tpu.memref_slice %arg9[%run_scoped3A_77, %add3A_11, %dma_start3A_89] : memref<3x16384x256xf32, #tpu.memory_space<hbm>> -> memref<1x16x256xf32, #tpu.memory_space<hbm>>
        %dma_start3A_91 = tpu.memref_squeeze %dma_start3A_90 : memref<1x16x256xf32, #tpu.memory_space<hbm>> -> memref<16x256xf32, #tpu.memory_space<hbm>>
        tpu.enqueue_dma source(%arg16 : memref<16x256xf32, #tpu.memory_space<vmem>>) target(%dma_start3A_91 : memref<16x256xf32, #tpu.memory_space<hbm>>) target_semaphore(%run_scoped3A_85 : memref<!tpu.dma_semaphore, #tpu.memory_space<semaphore_mem>>)
        %dma_wait3A_92 = arith.constant 0 : i32
        %dma_wait3A_93 = tpu.memref_slice %arg9[%run_scoped3A_77, %add3A_11, %dma_wait3A_92] : memref<3x16384x256xf32, #tpu.memory_space<hbm>> -> memref<1x16x256xf32, #tpu.memory_space<hbm>>
        %dma_wait3A_94 = tpu.memref_squeeze %dma_wait3A_93 : memref<1x16x256xf32, #tpu.memory_space<hbm>> -> memref<16x256xf32, #tpu.memory_space<hbm>>
        %dma_wait3A_95 = arith.constant 0 : i32
        %dma_wait3A_96 = tpu.memref_slice %arg9[%run_scoped3A_77, %add3A_11, %dma_wait3A_95] : memref<3x16384x256xf32, #tpu.memory_space<hbm>> -> memref<1x16x256xf32, #tpu.memory_space<hbm>>
        %dma_wait3A_97 = tpu.memref_squeeze %dma_wait3A_96 : memref<1x16x256xf32, #tpu.memory_space<hbm>> -> memref<16x256xf32, #tpu.memory_space<hbm>>
        tpu.wait_dma2 semaphore(%run_scoped3A_85 : memref<!tpu.dma_semaphore, #tpu.memory_space<semaphore_mem>>) src(%arg16 : memref<16x256xf32, #tpu.memory_space<vmem>>) dst(%dma_wait3A_97 : memref<16x256xf32, #tpu.memory_space<hbm>>)
        tpu.yield
      }) : () -> ()
      %dma_start3A_78 = arith.constant 0 : i32
      %dma_start3A_79 = arith.constant 0 : i32
      %dma_start3A_80 = tpu.memref_slice %arg8[%dma_start3A_78, %dma_start3A_79] : memref<1024x256xf32, #tpu.memory_space<hbm>> -> memref<1024x256xf32, #tpu.memory_space<hbm>>
      tpu.enqueue_indirect_dma source(%dma_start3A_80 : memref<1024x256xf32, #tpu.memory_space<hbm>>) target(%arg16 : memref<16x256xf32, #tpu.memory_space<vmem>>) offsets(%arg15 : memref<16xi32, #tpu.memory_space<vmem>>) semaphore(%arg17 : memref<!tpu.dma_semaphore, #tpu.memory_space<semaphore_mem>>)
      %dma_wait3A_81 = arith.constant 0 : i32
      %dma_wait3A_82 = arith.constant 0 : i32
      %dma_wait3A_83 = tpu.memref_slice %arg8[%dma_wait3A_81, %dma_wait3A_82] : memref<1024x256xf32, #tpu.memory_space<hbm>> -> memref<1024x256xf32, #tpu.memory_space<hbm>>
      tpu.wait_indirect_dma semaphore(%arg17 : memref<!tpu.dma_semaphore, #tpu.memory_space<semaphore_mem>>) src(%dma_wait3A_83 : memref<1024x256xf32, #tpu.memory_space<hbm>>) dst(%arg16 : memref<16x256xf32, #tpu.memory_space<vmem>>)
      %run_scoped3A_84 = arith.constant 2 : i32
      "tpu.region"() ({
        %run_scoped3A_85 = tpu.sem_alloc : memref<!tpu.dma_semaphore, #tpu.memory_space<semaphore_mem>>
        %dma_start3A_86 = arith.constant 0 : i32
        %dma_start3A_87 = tpu.memref_slice %arg9[%run_scoped3A_84, %add3A_11, %dma_start3A_86] : memref<3x16384x256xf32, #tpu.memory_space<hbm>> -> memref<1x16x256xf32, #tpu.memory_space<hbm>>
        %dma_start3A_88 = tpu.memref_squeeze %dma_start3A_87 : memref<1x16x256xf32, #tpu.memory_space<hbm>> -> memref<16x256xf32, #tpu.memory_space<hbm>>
        %dma_start3A_89 = arith.constant 0 : i32
        %dma_start3A_90 = tpu.memref_slice %arg9[%run_scoped3A_84, %add3A_11, %dma_start3A_89] : memref<3x16384x256xf32, #tpu.memory_space<hbm>> -> memref<1x16x256xf32, #tpu.memory_space<hbm>>
        %dma_start3A_91 = tpu.memref_squeeze %dma_start3A_90 : memref<1x16x256xf32, #tpu.memory_space<hbm>> -> memref<16x256xf32, #tpu.memory_space<hbm>>
        tpu.enqueue_dma source(%arg16 : memref<16x256xf32, #tpu.memory_space<vmem>>) target(%dma_start3A_91 : memref<16x256xf32, #tpu.memory_space<hbm>>) target_semaphore(%run_scoped3A_85 : memref<!tpu.dma_semaphore, #tpu.memory_space<semaphore_mem>>)
        %dma_wait3A_92 = arith.constant 0 : i32
        %dma_wait3A_93 = tpu.memref_slice %arg9[%run_scoped3A_84, %add3A_11, %dma_wait3A_92] : memref<3x16384x256xf32, #tpu.memory_space<hbm>> -> memref<1x16x256xf32, #tpu.memory_space<hbm>>
        %dma_wait3A_94 = tpu.memref_squeeze %dma_wait3A_93 : memref<1x16x256xf32, #tpu.memory_space<hbm>> -> memref<16x256xf32, #tpu.memory_space<hbm>>
        %dma_wait3A_95 = arith.constant 0 : i32
        %dma_wait3A_96 = tpu.memref_slice %arg9[%run_scoped3A_84, %add3A_11, %dma_wait3A_95] : memref<3x16384x256xf32, #tpu.memory_space<hbm>> -> memref<1x16x256xf32, #tpu.memory_space<hbm>>
        %dma_wait3A_97 = tpu.memref_squeeze %dma_wait3A_96 : memref<1x16x256xf32, #tpu.memory_space<hbm>> -> memref<16x256xf32, #tpu.memory_space<hbm>>
        tpu.wait_dma2 semaphore(%run_scoped3A_85 : memref<!tpu.dma_semaphore, #tpu.memory_space<semaphore_mem>>) src(%arg16 : memref<16x256xf32, #tpu.memory_space<vmem>>) dst(%dma_wait3A_97 : memref<16x256xf32, #tpu.memory_space<hbm>>)
        tpu.yield
      }) : () -> ()
    }
    %scan3A_5 = arith.constant 32 : i32
    return
  }
}

module attributes {stable_mosaic.version = 14 : i64} {
  func.func @_enc_body(%arg0: i32, %arg1: memref<512x768xf32, #tpu.memory_space<vmem>>, %arg2: memref<768x2048xbf16, #tpu.memory_space<vmem>>, %arg3: memref<1x2048xf32, #tpu.memory_space<vmem>>, %arg4: memref<2048x256xbf16, #tpu.memory_space<vmem>>, %arg5: memref<1x256xf32, #tpu.memory_space<vmem>>, %arg6: memref<3x256x1024xbf16, #tpu.memory_space<vmem>>, %arg7: memref<3x256x1024xbf16, #tpu.memory_space<vmem>>, %arg8: memref<3x512x1024xf32, #tpu.memory_space<vmem>>, %arg9: memref<3x512x1024xf32, #tpu.memory_space<vmem>>, %arg10: memref<512x256xf32, #tpu.memory_space<vmem>>, %arg11: memref<1024x1024xf32, #tpu.memory_space<vmem>>, %arg12: memref<1024x1024xf32, #tpu.memory_space<vmem>>, %arg13: memref<1024x1024xf32, #tpu.memory_space<vmem>>, %arg14: memref<3x1x1024xf32, #tpu.memory_space<vmem>>) attributes {dimension_semantics = [#tpu.dimension_semantics<arbitrary>], iteration_bounds = array<i64: 32>, scalar_prefetch = 0 : i64, scratch_operands = 1 : i64, tpu.core_type = #tpu.core_type<tc>, window_params = [{transform_indices = @transform_0, window_bounds = array<i64: 512, 768>}, {pipeline_mode = #tpu.pipeline_mode<synchronous>, transform_indices = @transform_1, window_bounds = array<i64: 768, 2048>}, {pipeline_mode = #tpu.pipeline_mode<synchronous>, transform_indices = @transform_2, window_bounds = array<i64: 1, 2048>}, {pipeline_mode = #tpu.pipeline_mode<synchronous>, transform_indices = @transform_3, window_bounds = array<i64: 2048, 256>}, {pipeline_mode = #tpu.pipeline_mode<synchronous>, transform_indices = @transform_4, window_bounds = array<i64: 1, 256>}, {pipeline_mode = #tpu.pipeline_mode<synchronous>, transform_indices = @transform_5, window_bounds = array<i64: 3, 256, 1024>}, {pipeline_mode = #tpu.pipeline_mode<synchronous>, transform_indices = @transform_6, window_bounds = array<i64: 3, 256, 1024>}, {transform_indices = @transform_7, window_bounds = array<i64: 3, 512, 1024>}, {transform_indices = @transform_8, window_bounds = array<i64: 3, 512, 1024>}, {transform_indices = @transform_9, window_bounds = array<i64: 512, 256>}, {pipeline_mode = #tpu.pipeline_mode<synchronous>, transform_indices = @transform_10, window_bounds = array<i64: 1024, 1024>}, {pipeline_mode = #tpu.pipeline_mode<synchronous>, transform_indices = @transform_11, window_bounds = array<i64: 1024, 1024>}, {pipeline_mode = #tpu.pipeline_mode<synchronous>, transform_indices = @transform_12, window_bounds = array<i64: 1024, 1024>}]} {
    %eq3A = arith.constant 0 : i32
    %eq3A_0 = arith.cmpi eq, %arg0, %eq3A : i32
    %convert_element_type3A = arith.extui %eq3A_0 : i1 to i32
    %cond3A = arith.constant 0 : i32
    %cond3A_1 = arith.cmpi ne, %convert_element_type3A, %cond3A : i32
    scf.if %cond3A_1 {
      %get3A_106 = arith.constant 0 : index
      %get3A_107 = arith.constant 0 : index
      %get3A_108 = arith.constant 0 : index
      %get3A_109 = vector.load %arg6[%get3A_106, %get3A_107, %get3A_108] : memref<3x256x1024xbf16, #tpu.memory_space<vmem>>, vector<1x256x1024xbf16>
      %get3A_110 = vector.shape_cast %get3A_109 : vector<1x256x1024xbf16> to vector<256x1024xbf16>
      %convert_element_type3A_111 = arith.extf %get3A_110 : vector<256x1024xbf16> to vector<256x1024xf32>
      %mul3A = arith.mulf %convert_element_type3A_111, %convert_element_type3A_111 : vector<256x1024xf32>
      %reduce_sum3A = arith.constant dense<0.000000e+00> : vector<1024xf32>
      %reduce_sum3A_112 = vector.multi_reduction <add>, %mul3A, %reduce_sum3A [0] : vector<256x1024xf32> to vector<1024xf32>
      %broadcast_in_dim3A = vector.shape_cast %reduce_sum3A_112 : vector<1024xf32> to vector<1x1024xf32>
      %swap3A_113 = arith.constant 0 : index
      %swap3A_114 = arith.constant 0 : index
      %swap3A_115 = arith.constant 0 : index
      %swap3A_116 = vector.load %arg14[%swap3A_113, %swap3A_114, %swap3A_115] : memref<3x1x1024xf32, #tpu.memory_space<vmem>>, vector<1x1x1024xf32>
      %swap3A_117 = vector.shape_cast %swap3A_116 : vector<1x1x1024xf32> to vector<1x1024xf32>
      %swap3A_118 = vector.shape_cast %broadcast_in_dim3A : vector<1x1024xf32> to vector<1x1x1024xf32>
      tpu.vector_store %arg14[%swap3A_113, %swap3A_114, %swap3A_115], %swap3A_118 {strides = array<i32>} : memref<3x1x1024xf32, #tpu.memory_space<vmem>>, vector<1x1x1024xf32>,
      %get3A_119 = arith.constant 1 : index
      %get3A_120 = arith.constant 0 : index
      %get3A_121 = arith.constant 0 : index
      %get3A_122 = vector.load %arg6[%get3A_119, %get3A_120, %get3A_121] : memref<3x256x1024xbf16, #tpu.memory_space<vmem>>, vector<1x256x1024xbf16>
      %get3A_123 = vector.shape_cast %get3A_122 : vector<1x256x1024xbf16> to vector<256x1024xbf16>
      %convert_element_type3A_124 = arith.extf %get3A_123 : vector<256x1024xbf16> to vector<256x1024xf32>
      %mul3A_125 = arith.mulf %convert_element_type3A_124, %convert_element_type3A_124 : vector<256x1024xf32>
      %reduce_sum3A_126 = arith.constant dense<0.000000e+00> : vector<1024xf32>
      %reduce_sum3A_127 = vector.multi_reduction <add>, %mul3A_125, %reduce_sum3A_126 [0] : vector<256x1024xf32> to vector<1024xf32>
      %broadcast_in_dim3A_128 = vector.shape_cast %reduce_sum3A_127 : vector<1024xf32> to vector<1x1024xf32>
      %swap3A_129 = arith.constant 1 : index
      %swap3A_130 = arith.constant 0 : index
      %swap3A_131 = arith.constant 0 : index
      %swap3A_132 = vector.load %arg14[%swap3A_129, %swap3A_130, %swap3A_131] : memref<3x1x1024xf32, #tpu.memory_space<vmem>>, vector<1x1x1024xf32>
      %swap3A_133 = vector.shape_cast %swap3A_132 : vector<1x1x1024xf32> to vector<1x1024xf32>
      %swap3A_134 = vector.shape_cast %broadcast_in_dim3A_128 : vector<1x1024xf32> to vector<1x1x1024xf32>
      tpu.vector_store %arg14[%swap3A_129, %swap3A_130, %swap3A_131], %swap3A_134 {strides = array<i32>} : memref<3x1x1024xf32, #tpu.memory_space<vmem>>, vector<1x1x1024xf32>,
      %get3A_135 = arith.constant 2 : index
      %get3A_136 = arith.constant 0 : index
      %get3A_137 = arith.constant 0 : index
      %get3A_138 = vector.load %arg6[%get3A_135, %get3A_136, %get3A_137] : memref<3x256x1024xbf16, #tpu.memory_space<vmem>>, vector<1x256x1024xbf16>
      %get3A_139 = vector.shape_cast %get3A_138 : vector<1x256x1024xbf16> to vector<256x1024xbf16>
      %convert_element_type3A_140 = arith.extf %get3A_139 : vector<256x1024xbf16> to vector<256x1024xf32>
      %mul3A_141 = arith.mulf %convert_element_type3A_140, %convert_element_type3A_140 : vector<256x1024xf32>
      %reduce_sum3A_142 = arith.constant dense<0.000000e+00> : vector<1024xf32>
      %reduce_sum3A_143 = vector.multi_reduction <add>, %mul3A_141, %reduce_sum3A_142 [0] : vector<256x1024xf32> to vector<1024xf32>
      %broadcast_in_dim3A_144 = vector.shape_cast %reduce_sum3A_143 : vector<1024xf32> to vector<1x1024xf32>
      %swap3A_145 = arith.constant 2 : index
      %swap3A_146 = arith.constant 0 : index
      %swap3A_147 = arith.constant 0 : index
      %swap3A_148 = vector.load %arg14[%swap3A_145, %swap3A_146, %swap3A_147] : memref<3x1x1024xf32, #tpu.memory_space<vmem>>, vector<1x1x1024xf32>
      %swap3A_149 = vector.shape_cast %swap3A_148 : vector<1x1x1024xf32> to vector<1x1024xf32>
      %swap3A_150 = vector.shape_cast %broadcast_in_dim3A_144 : vector<1x1024xf32> to vector<1x1x1024xf32>
      tpu.vector_store %arg14[%swap3A_145, %swap3A_146, %swap3A_147], %swap3A_150 {strides = array<i32>} : memref<3x1x1024xf32, #tpu.memory_space<vmem>>, vector<1x1x1024xf32>,
      %get3A_151 = arith.constant 0 : index
      %get3A_152 = arith.constant 0 : index
      %get3A_153 = arith.constant 0 : index
      %get3A_154 = vector.load %arg7[%get3A_151, %get3A_152, %get3A_153] : memref<3x256x1024xbf16, #tpu.memory_space<vmem>>, vector<1x256x1024xbf16>
      %get3A_155 = vector.shape_cast %get3A_154 : vector<1x256x1024xbf16> to vector<256x1024xbf16>
      %get3A_156 = arith.constant 1 : index
      %get3A_157 = arith.constant 0 : index
      %get3A_158 = arith.constant 0 : index
      %get3A_159 = vector.load %arg6[%get3A_156, %get3A_157, %get3A_158] : memref<3x256x1024xbf16, #tpu.memory_space<vmem>>, vector<1x256x1024xbf16>
      %get3A_160 = vector.shape_cast %get3A_159 : vector<1x256x1024xbf16> to vector<256x1024xbf16>
      %dot_general3A_161 = arith.constant dense<0.000000e+00> : vector<1024x1024xf32>
      %dot_general3A_162 = tpu.matmul %get3A_155, %get3A_160, %dot_general3A_161 {dimension_numbers = #tpu.dot_dimension_numbers<[0], [0], [1], [1], [0, 1, 1, 1], [], []>, transpose_lhs_hint = false} : vector<256x1024xbf16>, vector<256x1024xbf16>, vector<1024x1024xf32> -> vector<1024x1024xf32>
      %swap3A_163 = arith.constant 0 : index
      %swap3A_164 = arith.constant 0 : index
      %swap3A_165 = vector.load %arg11[%swap3A_163, %swap3A_164] : memref<1024x1024xf32, #tpu.memory_space<vmem>>, vector<1024x1024xf32>
      tpu.vector_store %arg11[%swap3A_163, %swap3A_164], %dot_general3A_162 {strides = array<i32>} : memref<1024x1024xf32, #tpu.memory_space<vmem>>, vector<1024x1024xf32>,
      %get3A_166 = arith.constant 0 : index
      %get3A_167 = arith.constant 0 : index
      %get3A_168 = arith.constant 0 : index
      %get3A_169 = vector.load %arg7[%get3A_166, %get3A_167, %get3A_168] : memref<3x256x1024xbf16, #tpu.memory_space<vmem>>, vector<1x256x1024xbf16>
      %get3A_170 = vector.shape_cast %get3A_169 : vector<1x256x1024xbf16> to vector<256x1024xbf16>
      %get3A_171 = arith.constant 2 : index
      %get3A_172 = arith.constant 0 : index
      %get3A_173 = arith.constant 0 : index
      %get3A_174 = vector.load %arg6[%get3A_171, %get3A_172, %get3A_173] : memref<3x256x1024xbf16, #tpu.memory_space<vmem>>, vector<1x256x1024xbf16>
      %get3A_175 = vector.shape_cast %get3A_174 : vector<1x256x1024xbf16> to vector<256x1024xbf16>
      %dot_general3A_176 = arith.constant dense<0.000000e+00> : vector<1024x1024xf32>
      %dot_general3A_177 = tpu.matmul %get3A_170, %get3A_175, %dot_general3A_176 {dimension_numbers = #tpu.dot_dimension_numbers<[0], [0], [1], [1], [0, 1, 1, 1], [], []>, transpose_lhs_hint = false} : vector<256x1024xbf16>, vector<256x1024xbf16>, vector<1024x1024xf32> -> vector<1024x1024xf32>
      %swap3A_178 = arith.constant 0 : index
      %swap3A_179 = arith.constant 0 : index
      %swap3A_180 = vector.load %arg12[%swap3A_178, %swap3A_179] : memref<1024x1024xf32, #tpu.memory_space<vmem>>, vector<1024x1024xf32>
      tpu.vector_store %arg12[%swap3A_178, %swap3A_179], %dot_general3A_177 {strides = array<i32>} : memref<1024x1024xf32, #tpu.memory_space<vmem>>, vector<1024x1024xf32>,
      %get3A_181 = arith.constant 1 : index
      %get3A_182 = arith.constant 0 : index
      %get3A_183 = arith.constant 0 : index
      %get3A_184 = vector.load %arg7[%get3A_181, %get3A_182, %get3A_183] : memref<3x256x1024xbf16, #tpu.memory_space<vmem>>, vector<1x256x1024xbf16>
      %get3A_185 = vector.shape_cast %get3A_184 : vector<1x256x1024xbf16> to vector<256x1024xbf16>
      %get3A_186 = arith.constant 2 : index
      %get3A_187 = arith.constant 0 : index
      %get3A_188 = arith.constant 0 : index
      %get3A_189 = vector.load %arg6[%get3A_186, %get3A_187, %get3A_188] : memref<3x256x1024xbf16, #tpu.memory_space<vmem>>, vector<1x256x1024xbf16>
      %get3A_190 = vector.shape_cast %get3A_189 : vector<1x256x1024xbf16> to vector<256x1024xbf16>
      %dot_general3A_191 = arith.constant dense<0.000000e+00> : vector<1024x1024xf32>
      %dot_general3A_192 = tpu.matmul %get3A_185, %get3A_190, %dot_general3A_191 {dimension_numbers = #tpu.dot_dimension_numbers<[0], [0], [1], [1], [0, 1, 1, 1], [], []>, transpose_lhs_hint = false} : vector<256x1024xbf16>, vector<256x1024xbf16>, vector<1024x1024xf32> -> vector<1024x1024xf32>
      %swap3A_193 = arith.constant 0 : index
      %swap3A_194 = arith.constant 0 : index
      %swap3A_195 = vector.load %arg13[%swap3A_193, %swap3A_194] : memref<1024x1024xf32, #tpu.memory_space<vmem>>, vector<1024x1024xf32>
      tpu.vector_store %arg13[%swap3A_193, %swap3A_194], %dot_general3A_192 {strides = array<i32>} : memref<1024x1024xf32, #tpu.memory_space<vmem>>, vector<1024x1024xf32>,
    } else {
    }
    %get3A = arith.constant 0 : index
    %get3A_2 = arith.constant 0 : index
    %get3A_3 = vector.load %arg1[%get3A, %get3A_2] : memref<512x768xf32, #tpu.memory_space<vmem>>, vector<512x768xf32>
    %convert_element_type3A_4 = arith.truncf %get3A_3 : vector<512x768xf32> to vector<512x768xbf16>
    %get3A_5 = arith.constant 0 : index
    %get3A_6 = arith.constant 0 : index
    %get3A_7 = vector.load %arg2[%get3A_5, %get3A_6] : memref<768x2048xbf16, #tpu.memory_space<vmem>>, vector<768x2048xbf16>
    %dot_general3A = arith.constant dense<0.000000e+00> : vector<512x2048xf32>
    %dot_general3A_8 = tpu.matmul %convert_element_type3A_4, %get3A_7, %dot_general3A {dimension_numbers = #tpu.dot_dimension_numbers<[1], [0], [0], [1], [0, 0, 1, 1], [], []>, transpose_lhs_hint = false} : vector<512x768xbf16>, vector<768x2048xbf16>, vector<512x2048xf32> -> vector<512x2048xf32>
    %get3A_9 = arith.constant 0 : index
    %get3A_10 = arith.constant 0 : index
    %get3A_11 = vector.load %arg3[%get3A_9, %get3A_10] : memref<1x2048xf32, #tpu.memory_space<vmem>>, vector<1x2048xf32>
    %add3A = vector.broadcast %get3A_11 : vector<1x2048xf32> to vector<512x2048xf32>
    %add3A_12 = arith.addf %dot_general3A_8, %add3A : vector<512x2048xf32>
    %max3A = arith.constant 0.000000e+00 : f32
    %max3A_13 = vector.broadcast %max3A : f32 to vector<512x2048xf32>
    %max3A_14 = arith.maximumf %add3A_12, %max3A_13 : vector<512x2048xf32>
    %convert_element_type3A_15 = arith.truncf %max3A_14 : vector<512x2048xf32> to vector<512x2048xbf16>
    %get3A_16 = arith.constant 0 : index
    %get3A_17 = arith.constant 0 : index
    %get3A_18 = vector.load %arg4[%get3A_16, %get3A_17] : memref<2048x256xbf16, #tpu.memory_space<vmem>>, vector<2048x256xbf16>
    %dot_general3A_19 = arith.constant dense<0.000000e+00> : vector<512x256xf32>
    %dot_general3A_20 = tpu.matmul %convert_element_type3A_15, %get3A_18, %dot_general3A_19 {dimension_numbers = #tpu.dot_dimension_numbers<[1], [0], [0], [1], [0, 0, 1, 1], [], []>, transpose_lhs_hint = false} : vector<512x2048xbf16>, vector<2048x256xbf16>, vector<512x256xf32> -> vector<512x256xf32>
    %get3A_21 = arith.constant 0 : index
    %get3A_22 = arith.constant 0 : index
    %get3A_23 = vector.load %arg5[%get3A_21, %get3A_22] : memref<1x256xf32, #tpu.memory_space<vmem>>, vector<1x256xf32>
    %add3A_24 = vector.broadcast %get3A_23 : vector<1x256xf32> to vector<512x256xf32>
    %add3A_25 = arith.addf %dot_general3A_20, %add3A_24 : vector<512x256xf32>
    %swap3A = arith.constant 0 : index
    %swap3A_26 = arith.constant 0 : index
    %swap3A_27 = vector.load %arg10[%swap3A, %swap3A_26] : memref<512x256xf32, #tpu.memory_space<vmem>>, vector<512x256xf32>
    tpu.vector_store %arg10[%swap3A, %swap3A_26], %add3A_25 {strides = array<i32>} : memref<512x256xf32, #tpu.memory_space<vmem>>, vector<512x256xf32>,
    %convert_element_type3A_28 = arith.truncf %add3A_25 : vector<512x256xf32> to vector<512x256xbf16>
    %get3A_29 = arith.constant 0 : index
    %get3A_30 = arith.constant 0 : index
    %get3A_31 = arith.constant 0 : index
    %get3A_32 = vector.load %arg7[%get3A_29, %get3A_30, %get3A_31] : memref<3x256x1024xbf16, #tpu.memory_space<vmem>>, vector<1x256x1024xbf16>
    %get3A_33 = vector.shape_cast %get3A_32 : vector<1x256x1024xbf16> to vector<256x1024xbf16>
    %dot_general3A_34 = arith.constant dense<0.000000e+00> : vector<512x1024xf32>
    %dot_general3A_35 = tpu.matmul %convert_element_type3A_28, %get3A_33, %dot_general3A_34 {dimension_numbers = #tpu.dot_dimension_numbers<[1], [0], [0], [1], [0, 0, 1, 1], [], []>, transpose_lhs_hint = false} : vector<512x256xbf16>, vector<256x1024xbf16>, vector<512x1024xf32> -> vector<512x1024xf32>
    %get3A_36 = arith.constant 0 : index
    %get3A_37 = arith.constant 0 : index
    %get3A_38 = arith.constant 0 : index
    %get3A_39 = vector.load %arg14[%get3A_36, %get3A_37, %get3A_38] : memref<3x1x1024xf32, #tpu.memory_space<vmem>>, vector<1x1x1024xf32>
    %get3A_40 = vector.shape_cast %get3A_39 : vector<1x1x1024xf32> to vector<1x1024xf32>
    %sub3A = vector.broadcast %get3A_40 : vector<1x1024xf32> to vector<512x1024xf32>
    %sub3A_41 = arith.subf %dot_general3A_35, %sub3A : vector<512x1024xf32>
    %get3A_42 = arith.constant 0 : index
    %get3A_43 = arith.constant 0 : index
    %get3A_44 = arith.constant 0 : index
    %get3A_45 = vector.load %arg8[%get3A_42, %get3A_43, %get3A_44] : memref<3x512x1024xf32, #tpu.memory_space<vmem>>, vector<1x512x1024xf32>
    %get3A_46 = vector.shape_cast %get3A_45 : vector<1x512x1024xf32> to vector<512x1024xf32>
    %add3A_47 = arith.addf %sub3A_41, %get3A_46 : vector<512x1024xf32>
    %swap3A_48 = arith.constant 0 : index
    %swap3A_49 = arith.constant 0 : index
    %swap3A_50 = arith.constant 0 : index
    %swap3A_51 = vector.load %arg9[%swap3A_48, %swap3A_49, %swap3A_50] : memref<3x512x1024xf32, #tpu.memory_space<vmem>>, vector<1x512x1024xf32>
    %swap3A_52 = vector.shape_cast %swap3A_51 : vector<1x512x1024xf32> to vector<512x1024xf32>
    %swap3A_53 = vector.shape_cast %add3A_47 : vector<512x1024xf32> to vector<1x512x1024xf32>
    tpu.vector_store %arg9[%swap3A_48, %swap3A_49, %swap3A_50], %swap3A_53 {strides = array<i32>} : memref<3x512x1024xf32, #tpu.memory_space<vmem>>, vector<1x512x1024xf32>,
    %get3A_54 = arith.constant 1 : index
    %get3A_55 = arith.constant 0 : index
    %get3A_56 = arith.constant 0 : index
    %get3A_57 = vector.load %arg7[%get3A_54, %get3A_55, %get3A_56] : memref<3x256x1024xbf16, #tpu.memory_space<vmem>>, vector<1x256x1024xbf16>
    %get3A_58 = vector.shape_cast %get3A_57 : vector<1x256x1024xbf16> to vector<256x1024xbf16>
    %dot_general3A_59 = arith.constant dense<0.000000e+00> : vector<512x1024xf32>
    %dot_general3A_60 = tpu.matmul %convert_element_type3A_28, %get3A_58, %dot_general3A_59 {dimension_numbers = #tpu.dot_dimension_numbers<[1], [0], [0], [1], [0, 0, 1, 1], [], []>, transpose_lhs_hint = false} : vector<512x256xbf16>, vector<256x1024xbf16>, vector<512x1024xf32> -> vector<512x1024xf32>
    %get3A_61 = arith.constant 1 : index
    %get3A_62 = arith.constant 0 : index
    %get3A_63 = arith.constant 0 : index
    %get3A_64 = vector.load %arg14[%get3A_61, %get3A_62, %get3A_63] : memref<3x1x1024xf32, #tpu.memory_space<vmem>>, vector<1x1x1024xf32>
    %get3A_65 = vector.shape_cast %get3A_64 : vector<1x1x1024xf32> to vector<1x1024xf32>
    %sub3A_66 = vector.broadcast %get3A_65 : vector<1x1024xf32> to vector<512x1024xf32>
    %sub3A_67 = arith.subf %dot_general3A_60, %sub3A_66 : vector<512x1024xf32>
    %get3A_68 = arith.constant 1 : index
    %get3A_69 = arith.constant 0 : index
    %get3A_70 = arith.constant 0 : index
    %get3A_71 = vector.load %arg8[%get3A_68, %get3A_69, %get3A_70] : memref<3x512x1024xf32, #tpu.memory_space<vmem>>, vector<1x512x1024xf32>
    %get3A_72 = vector.shape_cast %get3A_71 : vector<1x512x1024xf32> to vector<512x1024xf32>
    %add3A_73 = arith.addf %sub3A_67, %get3A_72 : vector<512x1024xf32>
    %swap3A_74 = arith.constant 1 : index
    %swap3A_75 = arith.constant 0 : index
    %swap3A_76 = arith.constant 0 : index
    %swap3A_77 = vector.load %arg9[%swap3A_74, %swap3A_75, %swap3A_76] : memref<3x512x1024xf32, #tpu.memory_space<vmem>>, vector<1x512x1024xf32>
    %swap3A_78 = vector.shape_cast %swap3A_77 : vector<1x512x1024xf32> to vector<512x1024xf32>
    %swap3A_79 = vector.shape_cast %add3A_73 : vector<512x1024xf32> to vector<1x512x1024xf32>
    tpu.vector_store %arg9[%swap3A_74, %swap3A_75, %swap3A_76], %swap3A_79 {strides = array<i32>} : memref<3x512x1024xf32, #tpu.memory_space<vmem>>, vector<1x512x1024xf32>,
    %get3A_80 = arith.constant 2 : index
    %get3A_81 = arith.constant 0 : index
    %get3A_82 = arith.constant 0 : index
    %get3A_83 = vector.load %arg7[%get3A_80, %get3A_81, %get3A_82] : memref<3x256x1024xbf16, #tpu.memory_space<vmem>>, vector<1x256x1024xbf16>
    %get3A_84 = vector.shape_cast %get3A_83 : vector<1x256x1024xbf16> to vector<256x1024xbf16>
    %dot_general3A_85 = arith.constant dense<0.000000e+00> : vector<512x1024xf32>
    %dot_general3A_86 = tpu.matmul %convert_element_type3A_28, %get3A_84, %dot_general3A_85 {dimension_numbers = #tpu.dot_dimension_numbers<[1], [0], [0], [1], [0, 0, 1, 1], [], []>, transpose_lhs_hint = false} : vector<512x256xbf16>, vector<256x1024xbf16>, vector<512x1024xf32> -> vector<512x1024xf32>
    %get3A_87 = arith.constant 2 : index
    %get3A_88 = arith.constant 0 : index
    %get3A_89 = arith.constant 0 : index
    %get3A_90 = vector.load %arg14[%get3A_87, %get3A_88, %get3A_89] : memref<3x1x1024xf32, #tpu.memory_space<vmem>>, vector<1x1x1024xf32>
    %get3A_91 = vector.shape_cast %get3A_90 : vector<1x1x1024xf32> to vector<1x1024xf32>
    %sub3A_92 = vector.broadcast %get3A_91 : vector<1x1024xf32> to vector<512x1024xf32>
    %sub3A_93 = arith.subf %dot_general3A_86, %sub3A_92 : vector<512x1024xf32>
    %get3A_94 = arith.constant 2 : index
    %get3A_95 = arith.constant 0 : index
    %get3A_96 = arith.constant 0 : index
    %get3A_97 = vector.load %arg8[%get3A_94, %get3A_95, %get3A_96] : memref<3x512x1024xf32, #tpu.memory_space<vmem>>, vector<1x512x1024xf32>
    %get3A_98 = vector.shape_cast %get3A_97 : vector<1x512x1024xf32> to vector<512x1024xf32>
    %add3A_99 = arith.addf %sub3A_93, %get3A_98 : vector<512x1024xf32>
    %swap3A_100 = arith.constant 2 : index
    %swap3A_101 = arith.constant 0 : index
    %swap3A_102 = arith.constant 0 : index
    %swap3A_103 = vector.load %arg9[%swap3A_100, %swap3A_101, %swap3A_102] : memref<3x512x1024xf32, #tpu.memory_space<vmem>>, vector<1x512x1024xf32>
    %swap3A_104 = vector.shape_cast %swap3A_103 : vector<1x512x1024xf32> to vector<512x1024xf32>
    %swap3A_105 = vector.shape_cast %add3A_99 : vector<512x1024xf32> to vector<1x512x1024xf32>
    tpu.vector_store %arg9[%swap3A_100, %swap3A_101, %swap3A_102], %swap3A_105 {strides = array<i32>} : memref<3x512x1024xf32, #tpu.memory_space<vmem>>, vector<1x512x1024xf32>,
    return
  }
  func.func @transform_0(%arg0: i32) -> (i32, i32) {
    %c0_i32 = arith.constant 0 : i32
    %c0_i32_0 = arith.constant 0 : i32
    return %arg0, %c0_i32 : i32, i32
  }
  func.func @transform_1(%arg0: i32) -> (i32, i32) {
    %c0_i32 = arith.constant 0 : i32
    %c0_i32_0 = arith.constant 0 : i32
    %c0_i32_1 = arith.constant 0 : i32
    return %c0_i32, %c0_i32_0 : i32, i32
  }
  func.func @transform_2(%arg0: i32) -> (i32, i32) {
    %c0_i32 = arith.constant 0 : i32
    %c0_i32_0 = arith.constant 0 : i32
    %c0_i32_1 = arith.constant 0 : i32
    return %c0_i32, %c0_i32_0 : i32, i32
  }
  func.func @transform_3(%arg0: i32) -> (i32, i32) {
    %c0_i32 = arith.constant 0 : i32
    %c0_i32_0 = arith.constant 0 : i32
    %c0_i32_1 = arith.constant 0 : i32
    return %c0_i32, %c0_i32_0 : i32, i32
  }
  func.func @transform_4(%arg0: i32) -> (i32, i32) {
    %c0_i32 = arith.constant 0 : i32
    %c0_i32_0 = arith.constant 0 : i32
    %c0_i32_1 = arith.constant 0 : i32
    return %c0_i32, %c0_i32_0 : i32, i32
  }
  func.func @transform_5(%arg0: i32) -> (i32, i32, i32) {
    %c0_i32 = arith.constant 0 : i32
    %c0_i32_0 = arith.constant 0 : i32
    %c0_i32_1 = arith.constant 0 : i32
    %c0_i32_2 = arith.constant 0 : i32
    return %c0_i32, %c0_i32_0, %c0_i32_1 : i32, i32, i32
  }
  func.func @transform_6(%arg0: i32) -> (i32, i32, i32) {
    %c0_i32 = arith.constant 0 : i32
    %c0_i32_0 = arith.constant 0 : i32
    %c0_i32_1 = arith.constant 0 : i32
    %c0_i32_2 = arith.constant 0 : i32
    return %c0_i32, %c0_i32_0, %c0_i32_1 : i32, i32, i32
  }
  func.func @transform_7(%arg0: i32) -> (i32, i32, i32) {
    %c0_i32 = arith.constant 0 : i32
    %c0_i32_0 = arith.constant 0 : i32
    %c0_i32_1 = arith.constant 0 : i32
    return %c0_i32, %arg0, %c0_i32_0 : i32, i32, i32
  }
  func.func @transform_8(%arg0: i32) -> (i32, i32, i32) {
    %c0_i32 = arith.constant 0 : i32
    %c0_i32_0 = arith.constant 0 : i32
    %c0_i32_1 = arith.constant 0 : i32
    return %c0_i32, %arg0, %c0_i32_0 : i32, i32, i32
  }
  func.func @transform_9(%arg0: i32) -> (i32, i32) {
    %c0_i32 = arith.constant 0 : i32
    %c0_i32_0 = arith.constant 0 : i32
    return %arg0, %c0_i32 : i32, i32
  }
  func.func @transform_10(%arg0: i32) -> (i32, i32) {
    %c0_i32 = arith.constant 0 : i32
    %c0_i32_0 = arith.constant 0 : i32
    %c0_i32_1 = arith.constant 0 : i32
    return %c0_i32, %c0_i32_0 : i32, i32
  }
  func.func @transform_11(%arg0: i32) -> (i32, i32) {
    %c0_i32 = arith.constant 0 : i32
    %c0_i32_0 = arith.constant 0 : i32
    %c0_i32_1 = arith.constant 0 : i32
    return %c0_i32, %c0_i32_0 : i32, i32
  }
  func.func @transform_12(%arg0: i32) -> (i32, i32) {
    %c0_i32 = arith.constant 0 : i32
    %c0_i32_0 = arith.constant 0 : i32
    %c0_i32_1 = arith.constant 0 : i32
    return %c0_i32, %c0_i32_0 : i32, i32
  }
}

module attributes {stable_mosaic.version = 14 : i64} {
  func.func @_dec_body(%arg0: i32, %arg1: memref<1024x768xf32, #tpu.memory_space<vmem>>, %arg2: memref<1024x256xf32, #tpu.memory_space<vmem>>, %arg3: memref<3x1024x256xf32, #tpu.memory_space<vmem>>, %arg4: memref<256x2048xbf16, #tpu.memory_space<vmem>>, %arg5: memref<1x2048xf32, #tpu.memory_space<vmem>>, %arg6: memref<2048x768xbf16, #tpu.memory_space<vmem>>, %arg7: memref<1x768xf32, #tpu.memory_space<vmem>>, %arg8: memref<1x1xf32, #tpu.memory_space<vmem>>) attributes {dimension_semantics = [#tpu.dimension_semantics<arbitrary>], iteration_bounds = array<i64: 16>, scalar_prefetch = 0 : i64, scratch_operands = 0 : i64, tpu.core_type = #tpu.core_type<tc>, window_params = [{transform_indices = @transform_0, window_bounds = array<i64: 1024, 768>}, {transform_indices = @transform_1, window_bounds = array<i64: 1024, 256>}, {transform_indices = @transform_2, window_bounds = array<i64: 3, 1024, 256>}, {pipeline_mode = #tpu.pipeline_mode<synchronous>, transform_indices = @transform_3, window_bounds = array<i64: 256, 2048>}, {pipeline_mode = #tpu.pipeline_mode<synchronous>, transform_indices = @transform_4, window_bounds = array<i64: 1, 2048>}, {pipeline_mode = #tpu.pipeline_mode<synchronous>, transform_indices = @transform_5, window_bounds = array<i64: 2048, 768>}, {pipeline_mode = #tpu.pipeline_mode<synchronous>, transform_indices = @transform_6, window_bounds = array<i64: 1, 768>}, {pipeline_mode = #tpu.pipeline_mode<synchronous>, transform_indices = @transform_7, window_bounds = array<i64: 1, 1>}]} {
    %get3A = arith.constant 0 : index
    %get3A_0 = arith.constant 0 : index
    %get3A_1 = vector.load %arg1[%get3A, %get3A_0] : memref<1024x768xf32, #tpu.memory_space<vmem>>, vector<1024x768xf32>
    %get3A_2 = arith.constant 0 : index
    %get3A_3 = arith.constant 0 : index
    %get3A_4 = arith.constant 0 : index
    %get3A_5 = vector.load %arg3[%get3A_2, %get3A_3, %get3A_4] : memref<3x1024x256xf32, #tpu.memory_space<vmem>>, vector<1x1024x256xf32>
    %get3A_6 = vector.shape_cast %get3A_5 : vector<1x1024x256xf32> to vector<1024x256xf32>
    %get3A_7 = arith.constant 1 : index
    %get3A_8 = arith.constant 0 : index
    %get3A_9 = arith.constant 0 : index
    %get3A_10 = vector.load %arg3[%get3A_7, %get3A_8, %get3A_9] : memref<3x1024x256xf32, #tpu.memory_space<vmem>>, vector<1x1024x256xf32>
    %get3A_11 = vector.shape_cast %get3A_10 : vector<1x1024x256xf32> to vector<1024x256xf32>
    %get3A_12 = arith.constant 2 : index
    %get3A_13 = arith.constant 0 : index
    %get3A_14 = arith.constant 0 : index
    %get3A_15 = vector.load %arg3[%get3A_12, %get3A_13, %get3A_14] : memref<3x1024x256xf32, #tpu.memory_space<vmem>>, vector<1x1024x256xf32>
    %get3A_16 = vector.shape_cast %get3A_15 : vector<1x1024x256xf32> to vector<1024x256xf32>
    %get3A_17 = arith.constant 0 : index
    %get3A_18 = arith.constant 0 : index
    %get3A_19 = vector.load %arg2[%get3A_17, %get3A_18] : memref<1024x256xf32, #tpu.memory_space<vmem>>, vector<1024x256xf32>
    %sub3A = arith.subf %get3A_19, %get3A_6 : vector<1024x256xf32>
    %sub3A_20 = arith.subf %sub3A, %get3A_11 : vector<1024x256xf32>
    %sub3A_21 = arith.subf %sub3A_20, %get3A_16 : vector<1024x256xf32>
    %mul3A = arith.mulf %sub3A, %sub3A : vector<1024x256xf32>
    %reduce_sum3A = arith.constant dense<0.000000e+00> : vector<1024xf32>
    %reduce_sum3A_22 = vector.multi_reduction <add>, %mul3A, %reduce_sum3A [1] : vector<1024x256xf32> to vector<1024xf32>
    %broadcast_in_dim3A = vector.shape_cast %reduce_sum3A_22 : vector<1024xf32> to vector<1024x1xf32>
    %mul3A_23 = arith.mulf %sub3A_20, %sub3A_20 : vector<1024x256xf32>
    %reduce_sum3A_24 = arith.constant dense<0.000000e+00> : vector<1024xf32>
    %reduce_sum3A_25 = vector.multi_reduction <add>, %mul3A_23, %reduce_sum3A_24 [1] : vector<1024x256xf32> to vector<1024xf32>
    %broadcast_in_dim3A_26 = vector.shape_cast %reduce_sum3A_25 : vector<1024xf32> to vector<1024x1xf32>
    %add3A = arith.addf %broadcast_in_dim3A, %broadcast_in_dim3A_26 : vector<1024x1xf32>
    %mul3A_27 = arith.mulf %sub3A_21, %sub3A_21 : vector<1024x256xf32>
    %reduce_sum3A_28 = arith.constant dense<0.000000e+00> : vector<1024xf32>
    %reduce_sum3A_29 = vector.multi_reduction <add>, %mul3A_27, %reduce_sum3A_28 [1] : vector<1024x256xf32> to vector<1024xf32>
    %broadcast_in_dim3A_30 = vector.shape_cast %reduce_sum3A_29 : vector<1024xf32> to vector<1024x1xf32>
    %add3A_31 = arith.addf %add3A, %broadcast_in_dim3A_30 : vector<1024x1xf32>
    %add3A_32 = arith.addf %get3A_6, %get3A_11 : vector<1024x256xf32>
    %add3A_33 = arith.addf %add3A_32, %get3A_16 : vector<1024x256xf32>
    %convert_element_type3A = arith.truncf %add3A_33 : vector<1024x256xf32> to vector<1024x256xbf16>
    %get3A_34 = arith.constant 0 : index
    %get3A_35 = arith.constant 0 : index
    %get3A_36 = vector.load %arg4[%get3A_34, %get3A_35] : memref<256x2048xbf16, #tpu.memory_space<vmem>>, vector<256x2048xbf16>
    %dot_general3A = arith.constant dense<0.000000e+00> : vector<1024x2048xf32>
    %dot_general3A_37 = tpu.matmul %convert_element_type3A, %get3A_36, %dot_general3A {dimension_numbers = #tpu.dot_dimension_numbers<[1], [0], [0], [1], [0, 0, 1, 1], [], []>, transpose_lhs_hint = false} : vector<1024x256xbf16>, vector<256x2048xbf16>, vector<1024x2048xf32> -> vector<1024x2048xf32>
    %get3A_38 = arith.constant 0 : index
    %get3A_39 = arith.constant 0 : index
    %get3A_40 = vector.load %arg5[%get3A_38, %get3A_39] : memref<1x2048xf32, #tpu.memory_space<vmem>>, vector<1x2048xf32>
    %add3A_41 = vector.broadcast %get3A_40 : vector<1x2048xf32> to vector<1024x2048xf32>
    %add3A_42 = arith.addf %dot_general3A_37, %add3A_41 : vector<1024x2048xf32>
    %max3A = arith.constant 0.000000e+00 : f32
    %max3A_43 = vector.broadcast %max3A : f32 to vector<1024x2048xf32>
    %max3A_44 = arith.maximumf %add3A_42, %max3A_43 : vector<1024x2048xf32>
    %convert_element_type3A_45 = arith.truncf %max3A_44 : vector<1024x2048xf32> to vector<1024x2048xbf16>
    %get3A_46 = arith.constant 0 : index
    %get3A_47 = arith.constant 0 : index
    %get3A_48 = vector.load %arg6[%get3A_46, %get3A_47] : memref<2048x768xbf16, #tpu.memory_space<vmem>>, vector<2048x768xbf16>
    %dot_general3A_49 = arith.constant dense<0.000000e+00> : vector<1024x768xf32>
    %dot_general3A_50 = tpu.matmul %convert_element_type3A_45, %get3A_48, %dot_general3A_49 {dimension_numbers = #tpu.dot_dimension_numbers<[1], [0], [0], [1], [0, 0, 1, 1], [], []>, transpose_lhs_hint = false} : vector<1024x2048xbf16>, vector<2048x768xbf16>, vector<1024x768xf32> -> vector<1024x768xf32>
    %get3A_51 = arith.constant 0 : index
    %get3A_52 = arith.constant 0 : index
    %get3A_53 = vector.load %arg7[%get3A_51, %get3A_52] : memref<1x768xf32, #tpu.memory_space<vmem>>, vector<1x768xf32>
    %add3A_54 = vector.broadcast %get3A_53 : vector<1x768xf32> to vector<1024x768xf32>
    %add3A_55 = arith.addf %dot_general3A_50, %add3A_54 : vector<1024x768xf32>
    %sub3A_56 = arith.subf %add3A_55, %get3A_1 : vector<1024x768xf32>
    %mul3A_57 = arith.mulf %sub3A_56, %sub3A_56 : vector<1024x768xf32>
    %reduce_sum3A_58 = arith.constant dense<0.000000e+00> : vector<1024xf32>
    %reduce_sum3A_59 = vector.multi_reduction <add>, %mul3A_57, %reduce_sum3A_58 [1] : vector<1024x768xf32> to vector<1024xf32>
    %broadcast_in_dim3A_60 = vector.shape_cast %reduce_sum3A_59 : vector<1024xf32> to vector<1024x1xf32>
    %mul3A_61 = arith.constant 1.250000e+00 : f32
    %mul3A_62 = vector.broadcast %mul3A_61 : f32 to vector<1024x1xf32>
    %mul3A_63 = arith.mulf %mul3A_62, %add3A_31 : vector<1024x1xf32>
    %add3A_64 = arith.addf %broadcast_in_dim3A_60, %mul3A_63 : vector<1024x1xf32>
    %reduce_sum3A_65 = vector.shape_cast %add3A_64 : vector<1024x1xf32> to vector<1x1024x1xf32>
    %reduce_sum3A_66 = arith.constant dense<0.000000e+00> : vector<1xf32>
    %reduce_sum3A_67 = vector.multi_reduction <add>, %reduce_sum3A_65, %reduce_sum3A_66 [1, 2] : vector<1x1024x1xf32> to vector<1xf32>
    %reduce_sum3A_68 = vector.shape_cast %reduce_sum3A_67 : vector<1xf32> to vector<1x1x1xf32>
    %reduce_sum3A_69 = vector.extract %reduce_sum3A_68[0, 0, 0] : f32 from vector<1x1x1xf32>
    %eq3A = arith.constant 0 : i32
    %eq3A_70 = arith.cmpi eq, %arg0, %eq3A : i32
    %convert_element_type3A_71 = arith.extui %eq3A_70 : i1 to i32
    %cond3A = arith.constant 0 : i32
    %cond3A_72 = arith.cmpi ne, %convert_element_type3A_71, %cond3A : i32
    scf.if %cond3A_72 {
      %broadcast_in_dim3A_79 = arith.constant 0.000000e+00 : f32
      %broadcast_in_dim3A_80 = vector.broadcast %broadcast_in_dim3A_79 : f32 to vector<1x1xf32>
      %swap3A_81 = arith.constant 0 : index
      %swap3A_82 = arith.constant 0 : index
      %swap3A_83 = vector.load %arg8[%swap3A_81, %swap3A_82] : memref<1x1xf32, #tpu.memory_space<vmem>>, vector<1x1xf32>
      tpu.vector_store %arg8[%swap3A_81, %swap3A_82], %broadcast_in_dim3A_80 {strides = array<i32>} : memref<1x1xf32, #tpu.memory_space<vmem>>, vector<1x1xf32>,
    } else {
    }
    %get3A_73 = arith.constant 0 : index
    %get3A_74 = arith.constant 0 : index
    %get3A_75 = vector.load %arg8[%get3A_73, %get3A_74] : memref<1x1xf32, #tpu.memory_space<vmem>>, vector<1x1xf32>
    %reshape3A = vector.broadcast %reduce_sum3A_69 : f32 to vector<1x1xf32>
    %add3A_76 = arith.addf %get3A_75, %reshape3A : vector<1x1xf32>
    %swap3A = arith.constant 0 : index
    %swap3A_77 = arith.constant 0 : index
    %swap3A_78 = vector.load %arg8[%swap3A, %swap3A_77] : memref<1x1xf32, #tpu.memory_space<vmem>>, vector<1x1xf32>
    tpu.vector_store %arg8[%swap3A, %swap3A_77], %add3A_76 {strides = array<i32>} : memref<1x1xf32, #tpu.memory_space<vmem>>, vector<1x1xf32>,
    return
  }
  func.func @transform_0(%arg0: i32) -> (i32, i32) {
    %c0_i32 = arith.constant 0 : i32
    %c0_i32_0 = arith.constant 0 : i32
    return %arg0, %c0_i32 : i32, i32
  }
  func.func @transform_1(%arg0: i32) -> (i32, i32) {
    %c0_i32 = arith.constant 0 : i32
    %c0_i32_0 = arith.constant 0 : i32
    return %arg0, %c0_i32 : i32, i32
  }
  func.func @transform_2(%arg0: i32) -> (i32, i32, i32) {
    %c0_i32 = arith.constant 0 : i32
    %c0_i32_0 = arith.constant 0 : i32
    %c0_i32_1 = arith.constant 0 : i32
    return %c0_i32, %arg0, %c0_i32_0 : i32, i32, i32
  }
  func.func @transform_3(%arg0: i32) -> (i32, i32) {
    %c0_i32 = arith.constant 0 : i32
    %c0_i32_0 = arith.constant 0 : i32
    %c0_i32_1 = arith.constant 0 : i32
    return %c0_i32, %c0_i32_0 : i32, i32
  }
  func.func @transform_4(%arg0: i32) -> (i32, i32) {
    %c0_i32 = arith.constant 0 : i32
    %c0_i32_0 = arith.constant 0 : i32
    %c0_i32_1 = arith.constant 0 : i32
    return %c0_i32, %c0_i32_0 : i32, i32
  }
  func.func @transform_5(%arg0: i32) -> (i32, i32) {
    %c0_i32 = arith.constant 0 : i32
    %c0_i32_0 = arith.constant 0 : i32
    %c0_i32_1 = arith.constant 0 : i32
    return %c0_i32, %c0_i32_0 : i32, i32
  }
  func.func @transform_6(%arg0: i32) -> (i32, i32) {
    %c0_i32 = arith.constant 0 : i32
    %c0_i32_0 = arith.constant 0 : i32
    %c0_i32_1 = arith.constant 0 : i32
    return %c0_i32, %c0_i32_0 : i32, i32
  }
  func.func @transform_7(%arg0: i32) -> (i32, i32) {
    %c0_i32 = arith.constant 0 : i32
    %c0_i32_0 = arith.constant 0 : i32
    %c0_i32_1 = arith.constant 0 : i32
    return %c0_i32, %c0_i32_0 : i32, i32
  }
}

</mosaic_0001>

<sc_bundles>
// kernel: kernel.5.cloned.1.call-start
scs
__scs_entry_jumppad:
0x0: {  	(pc) =	sbr.rel $0x88, $3  }
0x1: {  	(tag) =	ssettag $0x0;
	lr =	simm.s32 $0x1  }
0x2: {  	[smem:$0x3F96] =	sst lr;
	_ =	strace $0xD0000000  }
0x3: {  	_ = 	snop  }
0x4: {  	_ = 	snop  }
0x5: {  	_ = 	snop  }
0x6: {  	_ = 	snop  }
0x7: {  	_ = 	snop  }
__scs_overlays_trampoline_lowered:
0x8: {  	[smem:$0x3FA5] =	sst s0  }
0x9: {  	[smem:$0x3FA6] =	sst s1  }
0xa: {  	[smem:$0x3FA7] =	sst s2  }
0xb: {  	[smem:$0x3FA8] =	sst s3  }
0xc: {  	[smem:$0x3FA9] =	sst s4  }
0xd: {  	[smem:$0x3FAA] =	sst s5  }
0xe: {  	[smem:$0x3FAB] =	sst s6  }
0xf: {  	[smem:$0x3FAC] =	sst s7  }
0x10: {  	[smem:$0x3FAD] =	sst s8  }
0x11: {  	[smem:$0x3FAE] =	sst s9;
	s0 =	simm.s32 @!p0 $0x0  }
0x12: {  	s1 =	sld [smem:$0x3F94];
	s0 =	simm.s32 @p0 $0x1  }
0x13: {  	[smem:$0x3FAF] =	sst s0;
	s0 =	simm.s32 @!p1 $0x0  }
0x14: {  	s2 =	sld [smem:$0x3F93];
	s0 =	simm.s32 @p1 $0x1  }
0x15: {  	[smem:$0x3FB0] =	sst s0;
	s0 =	simm.s32 @!p2 $0x0  }
0x16: {  	s3 =	sld [smem:$0x3FDB];
	s0 =	simm.s32 @p2 $0x1  }
0x17: {  	s4 =	simm.s32 $0x1BF5;
	[smem:$0x3FB2] =	sst s0  }
0x18: {  	s0 =	sld [smem:$0x3F95];
	_ =	swait.ge [sflag:s4], $0x0  }
0x19: {  	s7 =	sld [smem:$0x3F96]  }
0x1a: {  	s8 =	sadd.s32 $0xFFFFE003, lr  }
0x1b: {  	s9 =	sadd.s32 $0xFFFFFEF7, lr;
	s5 =	simm.s32 $0xFFFFFFFF;
	p2 =	slt.u32 s8, $0xFFFFF086  }
0x1c: {  	p1 =	slt.u32 s9, $0xF7A;
	s5 =	simm.s32 @!p2 $0x0  }
0x1d: {  	s5 =	simm.s32 @p1 $0x1;
	p0 =	seq.s32 s7, s2  }
0x1e: {  	s7 =	smul.u32 @!p0 $0xF7A, s2;
	p2 =	seq.s32 @!p0 s5, $0x0  }
0x1f: {  	s9 =	smul.u32 $0xF7A, s1;
	s8 =	simm.s32 @!p0 $0x1BF5;
	p2 =	por !p2, p0  }
0x20: {  	[sflag:s8] =	ssyncset.s32 @!p0 $0xFFFFF086;
	s6 =	sadd.s32 @!p0 s3, s7;
	s7 =	simm.s32 @!p0 $0x108  }
0x21: {  	s3 =	sadd.s32 s3, s9;
	s6 =	sadd.s32 @!p0 $0x88, s6;
	s7 =	simm.s32 @p2 $0x1082  }
0x22: {  	[simem:s7], [sflag:s8] =	dma.local @!p0 [hbm:s6], $0xF7A  }
0x23: {  	s9 =	sor.u32 $0xD0000000, s2;
	s6 =	simm.s32 $0x108;
	_ =	swait.ge @!p0 [sflag:s8], $0x0  }
0x24: {  	s3 =	sadd.s32 $0x88, s3;
	s6 =	simm.s32 @!p1 $0x1082;
	[sflag:s4] =	ssyncset.s32 $0xFFFFF086  }
0x25: {  	[simem:s6], [sflag:s4] =	dma.local [hbm:s3], $0xF7A  }
0x26: {  	[smem:$0x3F96] =	sst s1;
	(tag) =	ssettag s2;
	_ =	strace s9  }
0x27: {  	s1 =	sld [smem:$0x3FA6]  }
0x28: {  	s2 =	sld [smem:$0x3FA7]  }
0x29: {  	s4 =	sld [smem:$0x3FA9]  }
0x2a: {  	p0 =	seq.s32 s5, $0x0;
	s5 =	sld [smem:$0x3FAA]  }
0x2b: {  	s6 =	sld [smem:$0x3FAB]  }
0x2c: {  	s7 =	sld [smem:$0x3FAC]  }
0x2d: {  	s3 =	simm.s32 $0x108;
	s8 =	sld [smem:$0x3FAD]  }
0x2e: {  	s3 =	simm.s32 @!p0 $0x1082;
	s9 =	sld [smem:$0x3FAE]  }
0x2f: {  	lr =	sadd.s32 s0, s3;
	s0 =	sld [smem:$0x3FA5]  }
0x30: {  	s3 =	sld [smem:$0x3FA8]  }
0x31: {  	[smem:$0x3FB1] =	sst s10  }
0x32: {  	s10 =	sld [smem:$0x3FAF];
	_ =	sdelay $0x3  }
0x33: {  	p0 =	seq.s32 s10, $0x1;
	s10 =	sld [smem:$0x3FB1];
	_ =	sdelay $0x3  }
0x34: {  	[smem:$0x3FB1] =	sst s10  }
0x35: {  	s10 =	sld [smem:$0x3FB0];
	_ =	sdelay $0x3  }
0x36: {  	p1 =	seq.s32 s10, $0x1;
	s10 =	sld [smem:$0x3FB1];
	_ =	sdelay $0x3  }
0x37: {  	[smem:$0x3FB1] =	sst s10  }
0x38: {  	s10 =	sld [smem:$0x3FB2]  }
0x39: {  	_ = 	snop;
	(pc) =	sbr.ind lr, $3  }
0x3a: {  	_ = 	snop  }
0x3b: {  	_ = 	snop  }
0x3c: {  	p2 =	seq.s32 s10, $0x1;
	s10 =	sld [smem:$0x3FB1]  }
0x3d: {  	_ =	shalt  }
0x3e: {  	_ =	shalt  }
0x3f: {  	_ =	shalt  }
0x40: {  	_ =	shalt  }
0x41: {  	_ =	shalt  }
0x42: {  	_ =	shalt  }
0x43: {  	_ =	shalt  }
0x44: {  	_ =	shalt  }
0x45: {  	_ =	shalt  }
0x46: {  	_ =	shalt  }
0x47: {  	_ =	shalt  }
0x48: {  	_ =	shalt  }
0x49: {  	_ =	shalt  }
0x4a: {  	_ =	shalt  }
0x4b: {  	_ =	shalt  }
0x4c: {  	_ =	shalt  }
0x4d: {  	_ =	shalt  }
0x4e: {  	_ =	shalt  }
0x4f: {  	_ =	shalt  }
0x50: {  	_ =	shalt  }
0x51: {  	_ =	shalt  }
0x52: {  	_ =	shalt  }
0x53: {  	_ =	shalt  }
0x54: {  	_ =	shalt  }
0x55: {  	_ =	shalt  }
0x56: {  	_ =	shalt  }
0x57: {  	_ =	shalt  }
0x58: {  	_ =	shalt  }
0x59: {  	_ =	shalt  }
0x5a: {  	_ =	shalt  }
0x5b: {  	_ =	shalt  }
0x5c: {  	_ =	shalt  }
0x5d: {  	_ =	shalt  }
0x5e: {  	_ =	shalt  }
0x5f: {  	_ =	shalt  }
0x60: {  	_ =	shalt  }
0x61: {  	_ =	shalt  }
0x62: {  	_ =	shalt  }
0x63: {  	_ =	shalt  }
0x64: {  	_ =	shalt  }
0x65: {  	_ =	shalt  }
0x66: {  	_ =	shalt  }
0x67: {  	_ =	shalt  }
0x68: {  	_ =	shalt  }
0x69: {  	_ =	shalt  }
0x6a: {  	_ =	shalt  }
0x6b: {  	_ =	shalt  }
0x6c: {  	_ =	shalt  }
0x6d: {  	_ =	shalt  }
0x6e: {  	_ =	shalt  }
0x6f: {  	_ =	shalt  }
0x70: {  	_ =	shalt  }
0x71: {  	_ =	shalt  }
0x72: {  	_ =	shalt  }
0x73: {  	_ =	shalt  }
0x74: {  	_ =	shalt  }
0x75: {  	_ =	shalt  }
0x76: {  	_ =	shalt  }
0x77: {  	_ =	shalt  }
0x78: {  	_ =	shalt  }
0x79: {  	_ =	shalt  }
0x7a: {  	_ =	shalt  }
0x7b: {  	_ =	shalt  }
0x7c: {  	_ =	shalt  }
0x7d: {  	_ =	shalt  }
0x7e: {  	_ =	shalt  }
0x7f: {  	_ =	shalt  }
0x80: {  	_ =	shalt  }
0x81: {  	_ =	shalt  }
0x82: {  	_ =	shalt  }
0x83: {  	_ =	shalt  }
0x84: {  	_ =	shalt  }
0x85: {  	_ =	shalt  }
0x86: {  	_ =	shalt  }
0x87: {  	_ =	shalt  }
.Lfunc_end0:
.L_simem_size_0:
called_computation.1_lowered:
.L_overlay_start_0:
0x88: {  	s2 =	sld [smem:$0x3FD9]  }
0x89: {  	s3 =	sld [smem:$0x3FFE];
	_ =	sdelay $0x1  }
0x8a: {  	s1 =	srdreg.scid  }
0x8b: {  	s0 =	sand.u32 $0x1, s1  }
0x8c: {  	s16 =	sshll.u32 s0, $0xA;
	s2 =	sadd.s32 s3, s2  }
0x8d: {  	s2 =	sadd.s32 s2, s16  }
0x8e: {  	[smem:$0x3FBD] =	sst s2  }
0x8f: {  	_ = 	snop  }
0x90: {  	(tm) =	ssettm $0x1  }
0x91: {  	s17 =	sld [smem:$0x3FFB];
	_ =	sdelay $0x3  }
0x92: {  	_ =	strace s17  }
0x93: {  	s2 =	sld [smem:$0x3FFC];
	_ =	sdelay $0x3  }
0x94: {  	_ =	strace s2  }
0x95: {  	s2 =	sld [smem:$0x3FFD];
	_ =	sdelay $0x3  }
0x96: {  	_ =	strace s2  }
0x97: {  	_ =	strace $0x8FFFFFFF  }
0x98: {  	s18 =	sld [smem:$0x3FDB];
	_ =	sdelay $0x1  }
0x99: {  	s19 =	simm.s32 $_scs_section_size  }
0x9a: {  	s4 =	simm.s32 $_size__tile_overlayer_lowered;
	s5 =	simm.s32 $_tile_overlayer_lowered  }
0x9b: {  	s22 =	simm.s32 $0x1BFF;
	s21 =	sshll.u32 s5, $0x1;
	s2 =	sadd.s32 s19, s18  }
0x9c: {  	s6 =	simm.s32 $0x0;
	s20 =	sshll.u32 s4, $0x1;
	s4 =	sadd.s32 s21, s2  }
0x9d: {  	[timem:s6], [sflag:s22] =	dma.local [hbm:s4], s20  }
0x9e: {  	_ =	swait.ge [sflag:s22], s20  }
0x9f: {  	s3 =	ssub.s32 $0x0, s20;
	[sflag:s22] =	ssyncset.done $0x0  }
0xa0: {  	[sflag:s22] =	ssyncadd.s32 s3;
	_ =	sdelay $0x1  }
0xa1: {  	s23 =	simm.s32 $0x1B8B  }
0xa2: {  	_ =	swait.ge [sflag:s23], $0x1  }
0xa3: {  	[sflag:s23] =	ssyncset.done $0x0  }
0xa4: {  	s25 =	simm.s32 $0x1B8E;
	s24 =	sld [smem:$0x3FFE];
	[sflag:s23] =	ssyncadd.s32 $0xFFFFFFFF  }
0xa5: {  	s26 =	simm.s32 $execute0_lowered;
	[smem:$0x3FD2] =	sst s25  }
0xa6: {  	s4 =	sshll.u32 s26, $0x1;
	_ =	strace $0x80000049;
	[dreg:$0x1] =	wrdreg $0xFFFFFFFF  }
0xa7: {  	s28 =	simm.s32 $_size_execute0_lowered;
	s2 =	sadd.s32 s2, s4;
	[dreg:$0x0] =	wrdreg $0x0  }
0xa8: {  	s4 =	sshll.u32 s28, $0x1;
	[dreg:$0x2] =	wrdreg s2  }
0xa9: {  	[dreg:$0x3] =	wrdreg s4  }
0xaa: {  	[dreg:$0x4] =	wrdreg $0xC0  }
0xab: {  	_ =	task [dreg:s6], $0x5FFFF  }
0xac: {  	[dreg:$0x1] =	wrdreg $0xFFFFFFFF  }
0xad: {  	[dreg:$0x0] =	wrdreg $0x60  }
0xae: {  	[dreg:$0x2] =	wrdreg s24  }
0xaf: {  	[dreg:$0x3] =	wrdreg $0x9  }
0xb0: {  	_ =	task.clear_ibuf [dreg:s6], $0x4FFFF;
	_ =	strace $0x90000049  }
0xb1: {  	s29 =	simm.s32 $0x9;
	_ =	strace $0x8000004B  }
0xb2: {  	_ =	swait.ge [sflag:s29], $0x1  }
0xb3: {  	[sflag:s29] =	ssyncadd.s32 $0xFFFFFFFF  }
0xb4: {  	_ =	strace $0x9000004B  }
0xb5: {  	_ =	sfence  }
0xb6: {  	s30 =	sld [smem:$0x0];
	_ =	sdelay $0x2  }
0xb7: {  	s31 =	sshll.u32 s1, $0xD;
	s1 =	sshrl.u32 s1, $0x2  }
0xb8: {  	s3 =	sand.u32 $0x4000, s31;
	s1 =	sadd.s32 s1, s30  }
0xb9: {  	s0 =	sor.u32 s3, s0;
	s1 =	sshll.u32 s1, $0x11  }
0xba: {  	s0 =	sor.u32 s1, s0  }
0xbb: {  	s0 =	sadd.s32 $0x8F2B, s0  }
0xbc: {  	[sflag:s0] =	ssyncadd.remote.s32 $0x1  }
0xbd: {  	_ =	sfence.sel $0xFFFF  }
0xbe: {  	[dreg:$0x0] =	wrdreg $0xFFFFFFFF;
	(pc) =	sbr.abs _section_cstart, $3  }
0xbf: {  	[dreg:$0x1] =	wrdreg $0xFFFFFFFF  }
0xc0: {  	_ =	task.clear_ibuf [dreg:s6], $0x2FFFF;
	_ =	strace $0x9FFFFFFF  }
0xc1: {  	(tm) =	ssettm $0x7FFFFFFF  }
tec
execute0_lowered:
.L_overlay_start_1:
0x0: {  	(tag) =	ssettag $0x1  }
0x1: {  	s0 =	rddreg [dreg:$0x0]  }
0x2: {  	s1 =	simm.s32 $0x0;
	s5 =	srdreg.scid;
	s13 =	stileid.u32  }
0x3: {  	s17 =	simm.s32 $0x2;
	s18 =	simm.s32 $0x10;
	s19 =	simm.s32 $0xC000  }
0x4: {  	s20 =	simm.s32 $0x4000;
	s22 =	simm.s32 $0xC010;
	s23 =	simm.s32 $0x8000  }
0x5: {  	s24 =	simm.s32 $0xC030;
	s25 =	simm.s32 $0xC020;
	[smem:$0x7FF] =	sst s1  }
0x6: {  	s21 =	simm.s32 $0x1;
	s2 =	sadd.s32 $0x6E3800, s0;
	s3 =	sadd.s32 $0x683800, s0  }
0x7: {  	s4 =	sadd.s32 $0x6A3800, s0;
	s7 =	sand.u32 $0x1, s5;
	s5 =	sadd.s32 $0xCE3800, s0  }
0x8: {  	s26 =	simm.s32 $0x0;
	s6 =	sadd.s32 $0x6D3800, s0;
	s8 =	sadd.s32 $0x6CB800, s0  }
0x9: {  	s9 =	sadd.s32 $0x6C3800, s0;
	s10 =	sadd.s32 $0x3800, s0;
	s11 =	ssub.s32 $0x2, s7  }
0xa: {  	s30 =	sshll.u32 s13, $0xA;
	s13 =	sadd.s32 $0xAE3800, s0;
	s12 =	sshrl.u32 s11, $0x1  }
0xb: {  	v0 =	vlaneseq.u32;
	s14 =	sadd.s32 $0x83800, s0;
	s15 =	sadd.s32 $0x103800, s0;
	s16 =	ssub.s32 s11, s12  }
0xc: {  	v0 =	vmul.u32 $0x400, v0;
	_ =	strace $0x8000004A;
	s7 =	sshll.u32 s7, $0x9;
	s31 =	smax.u32 s16, $0x1  }
0xd: {  	s11 =	sadd.s32 $0x8E3800, s0;
	s12 =	sor.u32 s7, s30;
	[dreg:$0x2] =	wrdreg s31  }
.LBB2_1:
0xe: {  	s28 =	simm.s32 $0x0  }
.LBB2_2:
0xf: {  	s0 =	sshll.u32 s28, $0x4  }
0x10: {  	s29 =	sadd.s32 s12, s0  }
0x11: {  	s0 =	simm.s32 $0x0;
	s30 =	sshll.u32 s29, $0x7  }
0x12: {  	v1 =	vor.u32 s0, v0;
	s7 =	sadd.s32 s2, s30  }
0x13: {  	[tilespmem:s0], [sflag:$0x2] =	stream.linear.gather [hbm4b:s7+s0], $0x4000, $0x38;
	[tilespmem:$0xD030] =	vst v63  }
0x14: {  	_ =	swait.ge [sflag:s17], $0x4000  }
0x15: {  	[sflag:s17] =	ssyncset.done $0x0  }
0x16: {  	s31 =	simm.s32 $0x1;
	[sflag:s17] =	ssyncadd.s32 $0xFFFFC000  }
0x17: {  	v3 =	vor.u32 s31, v0;
	v4 =	vld.idx.msk [tilespmem:v1+s1+$0x0], $0xffff;
	_ =	sdelay $0x3  }
0x18: {  	v1 =	vimm.f32 $-3.000000010e+38  }
0x19: {  	v2 =	vimm.s32 $0x0;
	s7 =	simm.s32 $0x2;
	v3 =	vld.idx.msk [tilespmem:v3+s1+$0x0], $0xffff;
	vm0 =	vgt.f32 v4, v1  }
.LBB2_3:
0x1a: {  	p0 =	sne.s32 s7, $0x3FF  }
0x1b: {  	v5 =	vor.u32 s7, v0;
	v1 =	vsel vm0, v4, v1;
	v2 =	vsel vm0, s0, v2;
	s0 =	smov.u32 s31;
	s31 =	smov.u32 s7;
	s7 =	sadd.s32 $0x1, s7  }
.Ltmp0:
0x1c: {  	(pc) =	sbr.rel @p0 .LBB2_3-.Ltmp0, $2  }
0x1d: {  	_ =	sdelay $0x2  }
0x1e: {  	vm0 =	vgt.f32 v3, v1;
	v4 =	vmov v3;
	v3 =	vld.idx.msk [tilespmem:v5+s1+$0x0], $0xffff  }
0x1f: {  	_ =	sdelay $0x2  }
0x20: {  	v1 =	vsel vm0, v4, v1  }
0x21: {  	v2 =	vsel vm0, s0, v2;
	vm15 =	vgt.f32 v3, v1  }
0x22: {  	v1 =	vsel vm15, s31, v2  }
0x23: {  	[tilespmem:$0xC000] =	vst v1  }
0x24: {  	[tilespmem:s20], [sflag:$0x1] =	stream.indirect.gather [hbm4b:s3+s18], $0x400, s19, s18, $0xb8;
	[tilespmem:$0xD030] =	vst v63  }
0x25: {  	_ =	swait.ge [sflag:s21], $0x4000  }
0x26: {  	s31 =	simm.s32 $0x0;
	[sflag:s21] =	ssyncset.done $0x0  }
0x27: {  	s16 =	sadd.s32 s30, s11;
	v2 =	vor.u32 s31, v0;
	[sflag:s21] =	ssyncadd.s32 $0xFFFFC000  }
0x28: {  	[tilespmem:s31], [sflag:$0x2] =	stream.linear.gather [hbm4b:s16+s31], $0x4000, $0x38;
	[tilespmem:$0xD030] =	vst v63  }
0x29: {  	_ =	swait.ge [sflag:s17], $0x4000  }
0x2a: {  	[sflag:s17] =	ssyncset.done $0x0  }
0x2b: {  	s0 =	simm.s32 $0x1;
	[sflag:s17] =	ssyncadd.s32 $0xFFFFC000  }
0x2c: {  	v1 =	vor.u32 s0, v0;
	v6 =	vld.idx.msk [tilespmem:v2+s1+$0x0], $0xffff  }
0x2d: {  	v4 =	vld.idx.msk [tilespmem:v2+s20+$0x0], $0xffff;
	_ =	sdelay $0x3  }
0x2e: {  	s7 =	simm.s32 $0x2;
	v3 =	vimm.s32 $0x0;
	v2 =	vimm.f32 $-3.000000010e+38;
	v5 =	vld.idx.msk [tilespmem:v1+s1+$0x0], $0xffff  }
.LBB2_5:
0x2f: {  	v6 =	vsub.f32 v6, v4;
	v4 =	vld.idx.msk [tilespmem:v1+s20+$0x0], $0xffff;
	v1 =	vor.u32 s7, v0;
	s16 =	smov.u32 s7;
	p0 =	sne.s32 s7, $0x3FF  }
.Ltmp1:
0x30: {  	s7 =	sadd.s32 $0x1, s7;
	(pc) =	sbr.rel @p0 .LBB2_5-.Ltmp1, $3  }
0x31: {  	vm0 =	vgt.f32 v6, v2  }
0x32: {  	v2 =	vsel vm0, v6, v2;
	v3 =	vsel vm0, s31, v3;
	s31 =	smov.u32 s0;
	s0 =	smov.u32 s16;
	_ =	sdelay $0x1  }
0x33: {  	v6 =	vmov v5;
	v5 =	vld.idx.msk [tilespmem:v1+s1+$0x0], $0xffff  }
0x34: {  	_ =	sdelay $0x3  }
0x35: {  	v1 =	vld.idx.msk [tilespmem:v1+s20+$0x0], $0xffff;
	_ =	sdelay $0x2  }
0x36: {  	v4 =	vsub.f32 v6, v4;
	_ =	sdelay $0x1  }
0x37: {  	vm0 =	vgt.f32 v4, v2;
	v1 =	vsub.f32 v5, v1  }
0x38: {  	v2 =	vsel vm0, v4, v2  }
0x39: {  	v3 =	vsel vm0, s31, v3;
	vm15 =	vgt.f32 v1, v2  }
0x3a: {  	v1 =	vsel vm15, s0, v3  }
0x3b: {  	[tilespmem:$0xC010] =	vst v1  }
0x3c: {  	[tilespmem:s20], [sflag:$0x1] =	stream.indirect.gather [hbm4b:s4+s18], $0x400, s19, s18, $0xb8;
	[tilespmem:$0xD030] =	vst v63  }
0x3d: {  	_ =	swait.ge [sflag:s21], $0x4000  }
0x3e: {  	[sflag:s21] =	ssyncset.done $0x0  }
0x3f: {  	[sflag:s21] =	ssyncadd.s32 $0xFFFFC000  }
0x40: {  	[tilespmem:s23], [sflag:$0x1] =	stream.indirect.gather [hbm4b:s5+s18], $0x400, s22, s18, $0xb8;
	[tilespmem:$0xD030] =	vst v63  }
0x41: {  	_ =	swait.ge [sflag:s21], $0x4000  }
0x42: {  	s31 =	simm.s32 $0x0;
	[sflag:s21] =	ssyncset.done $0x0  }
0x43: {  	s16 =	sadd.s32 s30, s13;
	v1 =	vor.u32 s31, v0;
	[sflag:s21] =	ssyncadd.s32 $0xFFFFC000  }
0x44: {  	[tilespmem:s31], [sflag:$0x2] =	stream.linear.gather [hbm4b:s16+s31], $0x4000, $0x38;
	[tilespmem:$0xD030] =	vst v63  }
0x45: {  	_ =	swait.ge [sflag:s17], $0x4000  }
0x46: {  	[sflag:s17] =	ssyncset.done $0x0  }
0x47: {  	s30 =	simm.s32 $0x1;
	[sflag:s17] =	ssyncadd.s32 $0xFFFFC000  }
0x48: {  	v3 =	vor.u32 s30, v0;
	v8 =	vld.idx.msk [tilespmem:v1+s1+$0x0], $0xffff  }
0x49: {  	v4 =	vld.idx.msk [tilespmem:v1+s20+$0x0], $0xffff;
	_ =	sdelay $0x1  }
0x4a: {  	v7 =	vmov v3;
	v5 =	vld.idx.msk [tilespmem:v1+s23+$0x0], $0xffff;
	_ =	sdelay $0x1  }
0x4b: {  	v2 =	vimm.s32 $0x0;
	s0 =	simm.s32 $0x2;
	v1 =	vimm.f32 $-3.000000010e+38;
	v6 =	vld.idx.msk [tilespmem:v3+s1+$0x0], $0xffff  }
.LBB2_7:
0x4c: {  	v8 =	vsub.f32 v8, v4;
	v4 =	vld.idx.msk [tilespmem:v3+s20+$0x0], $0xffff;
	v3 =	vor.u32 s0, v0;
	s7 =	smov.u32 s0;
	p0 =	sne.s32 s0, $0x3FF  }
.Ltmp2:
0x4d: {  	s0 =	sadd.s32 $0x1, s0;
	(pc) =	sbr.rel @p0 .LBB2_7-.Ltmp2, $3  }
0x4e: {  	v9 =	vsub.f32 v8, v5;
	v5 =	vld.idx.msk [tilespmem:v7+s23+$0x0], $0xffff;
	v7 =	vmov v3;
	_ =	sdelay $0x1  }
0x4f: {  	vm0 =	vgt.f32 v9, v1  }
0x50: {  	v8 =	vmov v6;
	v1 =	vsel vm0, v9, v1;
	v2 =	vsel vm0, s31, v2;
	v6 =	vld.idx.msk [tilespmem:v3+s1+$0x0], $0xffff;
	s31 =	smov.u32 s30;
	s30 =	smov.u32 s7  }
0x51: {  	_ =	sdelay $0x3  }
0x52: {  	v3 =	vld.idx.msk [tilespmem:v3+s20+$0x0], $0xffff;
	_ =	sdelay $0x1  }
0x53: {  	v7 =	vld.idx.msk [tilespmem:v7+s23+$0x0], $0xffff  }
0x54: {  	v4 =	vsub.f32 v8, v4;
	_ =	sdelay $0x1  }
0x55: {  	v4 =	vsub.f32 v4, v5;
	v3 =	vsub.f32 v6, v3;
	_ =	sdelay $0x1  }
0x56: {  	vm0 =	vgt.f32 v4, v1;
	v3 =	vsub.f32 v3, v7  }
0x57: {  	v1 =	vsel vm0, v4, v1  }
0x58: {  	v2 =	vsel vm0, s31, v2;
	vm15 =	vgt.f32 v3, v1  }
0x59: {  	v1 =	vsel vm15, s30, v2  }
0x5a: {  	[tilespmem:$0xC020] =	vst v1  }
0x5b: {  	[tilespmem:s24], [sflag:$0x1] =	stream.indirect.gather [hbm4b:s6+s18], $0x100, s19, s18, $0xb8;
	[tilespmem:$0xD030] =	vst v63  }
0x5c: {  	_ =	swait.ge [sflag:s21], $0x1000  }
0x5d: {  	s0 =	sshll.u32 s29, $0x5;
	[sflag:s21] =	ssyncset.done $0x0  }
0x5e: {  	s7 =	sadd.s32 s10, s0;
	[sflag:s21] =	ssyncadd.s32 $0xFFFFF000  }
0x5f: {  	[hbm4b:s7+s1] =	stream.linear.scatter [tilespmem:s24], [sflag:$0x2], $0x1000, $0x38;
	[tilespmem:$0xD030] =	vst v63  }
0x60: {  	_ =	swait.ge [sflag:s17], $0x1000  }
0x61: {  	[sflag:s17] =	ssyncset.done $0x0  }
0x62: {  	[sflag:s17] =	ssyncadd.s32 $0xFFFFF000  }
0x63: {  	[tilespmem:s24], [sflag:$0x1] =	stream.indirect.gather [hbm4b:s8+s18], $0x100, s22, s18, $0xb8;
	[tilespmem:$0xD030] =	vst v63  }
0x64: {  	_ =	swait.ge [sflag:s21], $0x1000  }
0x65: {  	[sflag:s21] =	ssyncset.done $0x0  }
0x66: {  	s31 =	sadd.s32 s0, s14;
	[sflag:s21] =	ssyncadd.s32 $0xFFFFF000  }
0x67: {  	[hbm4b:s31+s1] =	stream.linear.scatter [tilespmem:s24], [sflag:$0x2], $0x1000, $0x38;
	[tilespmem:$0xD030] =	vst v63  }
0x68: {  	_ =	swait.ge [sflag:s17], $0x1000  }
0x69: {  	[sflag:s17] =	ssyncset.done $0x0  }
0x6a: {  	[sflag:s17] =	ssyncadd.s32 $0xFFFFF000  }
0x6b: {  	[tilespmem:s24], [sflag:$0x1] =	stream.indirect.gather [hbm4b:s9+s18], $0x100, s25, s18, $0xb8;
	[tilespmem:$0xD030] =	vst v63  }
0x6c: {  	s28 =	sadd.s32 $0x1, s28;
	_ =	swait.ge [sflag:s21], $0x1000  }
0x6d: {  	p0 =	sne.s32 s28, $0x20;
	[sflag:s21] =	ssyncset.done $0x0  }
.Ltmp3:
0x6e: {  	s0 =	sadd.s32 s0, s15;
	[sflag:s21] =	ssyncadd.s32 $0xFFFFF000;
	(pc) =	sbr.rel @p0 .LBB2_2-.Ltmp3, $4  }
0x6f: {  	[hbm4b:s0+s1] =	stream.linear.scatter [tilespmem:s24], [sflag:$0x2], $0x1000, $0x38;
	[tilespmem:$0xD030] =	vst v63  }
0x70: {  	_ =	swait.ge [sflag:s17], $0x1000  }
0x71: {  	[sflag:s17] =	ssyncset.done $0x0  }
0x72: {  	[sflag:s17] =	ssyncadd.s32 $0xFFFFF000  }
0x73: {  	s26 =	sadd.s32 $0x1, s26;
	s0 =	rddreg [dreg:$0x2]  }
0x74: {  	p0 =	sne.s32 s26, s0  }
.Ltmp4:
0x75: {  	_ = 	snop;
	(pc) =	sbr.rel @p0 .LBB2_1-.Ltmp4, $1  }
0x76: {  	_ =	sdelay $0x3  }
0x77: {  	_ =	sfence.sel $0x180000  }
0x78: {  	[bflag:$0x0] =	sbarrier.arrive $0xFFFF  }
0x79: {  	_ =	strace $0x9000004A  }
0x7a: {  	s0 =	stileid.u32;
	[bflag:$0x2] =	sbarrier.arrive $0xFFFF  }
0x7b: {  	p0 =	sne.s32 s0, $0x0;
	s0 =	rddreg [dreg:$0x1]  }
0x7c: {  	s0 =	sadd.s32 @!p0 $0x100000, s0  }
0x7d: {  	[sflag:s0] =	ssyncadd.tile.s32 @!p0 $0x1;
	_ =	shalt  }
.Lfunc_end2:
_tile_overlayer_lowered:
.L_overlay_start_2:
0x7e: {  	(tag) =	ssettag $0x2  }
0x7f: {  	s0 =	rddreg [dreg:$0x0];
	s2 =	stileid.u32  }
0x80: {  	s1 =	rddreg [dreg:$0x1];
	p0 =	sne.s32 s2, $0x0  }
0x81: {  	s3 =	rddreg [dreg:$0x2];
	[bflag:$0x3] =	sbarrier.arrive $0xFFFF;
	s2 =	simm.s32 @!p0 $0x1C02  }
0x82: {  	[timem:s3], [sflag:s2] =	dma.local @!p0 [hbm:s0], s1  }
0x83: {  	s0 =	simm.s32 @!p0 $0x2  }
0x84: {  	_ =	swait.ge @!p0 [sflag:s0], s1  }
0x85: {  	s1 =	ssub.s32 @!p0 $0x0, s1;
	[sflag:s0] =	ssyncset.done @!p0 $0x0  }
0x86: {  	[sflag:s0] =	ssyncadd.s32 @!p0 s1  }
0x87: {  	[bflag:$0x3] =	sbarrier.arrive $0xFFFF  }
0x88: {  	_ =	shalt  }

// kernel: sparse-core-data-format-call.cloned.1.call-start
scs
called_computation_lowered:
.L_overlay_start_0:
0x0: {  	s1 =	sld [smem:$0x3FD9]  }
0x1: {  	s2 =	sld [smem:$0x3FFE];
	_ =	sdelay $0x1  }
0x2: {  	s3 =	srdreg.scid  }
0x3: {  	s0 =	sand.u32 $0x1, s3  }
0x4: {  	s17 =	sshll.u32 s0, $0xA;
	s1 =	sadd.s32 s2, s1  }
0x5: {  	s1 =	sadd.s32 s1, s17  }
0x6: {  	[smem:$0x3FBD] =	sst s1  }
0x7: {  	_ = 	snop  }
0x8: {  	(tm) =	ssettm $0x1  }
0x9: {  	s18 =	sld [smem:$0x3FFB];
	_ =	sdelay $0x3  }
0xa: {  	_ =	strace s18  }
0xb: {  	s1 =	sld [smem:$0x3FFC];
	_ =	sdelay $0x3  }
0xc: {  	_ =	strace s1  }
0xd: {  	s1 =	sld [smem:$0x3FFD];
	_ =	sdelay $0x3  }
0xe: {  	_ =	strace s1  }
0xf: {  	_ =	strace $0x8FFFFFFF  }
0x10: {  	s19 =	sld [smem:$0x3FDB];
	_ =	sdelay $0x1  }
0x11: {  	s20 =	simm.s32 $_scs_section_size  }
0x12: {  	s4 =	simm.s32 $_size__tile_overlayer_lowered;
	s5 =	simm.s32 $_tile_overlayer_lowered  }
0x13: {  	s23 =	simm.s32 $0x1BFF;
	s22 =	sshll.u32 s5, $0x1;
	s1 =	sadd.s32 s20, s19  }
0x14: {  	s6 =	simm.s32 $0x0;
	s21 =	sshll.u32 s4, $0x1;
	s4 =	sadd.s32 s22, s1  }
0x15: {  	[timem:s6], [sflag:s23] =	dma.local [hbm:s4], s21  }
0x16: {  	_ =	swait.ge [sflag:s23], s21  }
0x17: {  	s2 =	ssub.s32 $0x0, s21;
	[sflag:s23] =	ssyncset.done $0x0  }
0x18: {  	[sflag:s23] =	ssyncadd.s32 s2;
	_ =	sdelay $0x1  }
0x19: {  	s24 =	simm.s32 $0x1B8B  }
0x1a: {  	_ =	swait.ge [sflag:s24], $0x1  }
0x1b: {  	[sflag:s24] =	ssyncset.done $0x0  }
0x1c: {  	s26 =	simm.s32 $0x1B8E;
	s25 =	sld [smem:$0x3FFE];
	[sflag:s24] =	ssyncadd.s32 $0xFFFFFFFF  }
0x1d: {  	s27 =	simm.s32 $execute0_lowered;
	[smem:$0x3FD2] =	sst s26  }
0x1e: {  	s4 =	sshll.u32 s27, $0x1;
	_ =	strace $0x80000046;
	[dreg:$0x1] =	wrdreg $0xFFFFFFFF  }
0x1f: {  	s28 =	simm.s32 $_size_execute0_lowered;
	s1 =	sadd.s32 s1, s4;
	[dreg:$0x0] =	wrdreg $0x0  }
0x20: {  	s4 =	sshll.u32 s28, $0x1;
	[dreg:$0x2] =	wrdreg s1  }
0x21: {  	[dreg:$0x3] =	wrdreg s4  }
0x22: {  	[dreg:$0x4] =	wrdreg $0xC0  }
0x23: {  	_ =	task [dreg:s6], $0x5FFFF  }
0x24: {  	[dreg:$0x1] =	wrdreg $0xFFFFFFFF  }
0x25: {  	[dreg:$0x0] =	wrdreg $0x60  }
0x26: {  	[dreg:$0x2] =	wrdreg s25  }
0x27: {  	[dreg:$0x3] =	wrdreg $0x9  }
0x28: {  	_ =	task.clear_ibuf [dreg:s6], $0x4FFFF;
	_ =	strace $0x90000046  }
0x29: {  	s29 =	simm.s32 $0x9;
	_ =	strace $0x80000048  }
0x2a: {  	_ =	swait.ge [sflag:s29], $0x1  }
0x2b: {  	[sflag:s29] =	ssyncadd.s32 $0xFFFFFFFF  }
0x2c: {  	_ =	strace $0x90000048  }
0x2d: {  	_ =	sfence  }
0x2e: {  	s30 =	sld [smem:$0x0];
	_ =	sdelay $0x2  }
0x2f: {  	s31 =	sshll.u32 s3, $0xD;
	s3 =	sshrl.u32 s3, $0x2  }
0x30: {  	s2 =	sand.u32 $0x4000, s31;
	s1 =	sadd.s32 s3, s30  }
0x31: {  	s0 =	sor.u32 s2, s0;
	s1 =	sshll.u32 s1, $0x11  }
0x32: {  	s0 =	sor.u32 s1, s0  }
0x33: {  	s0 =	sadd.s32 $0x8F2B, s0  }
0x34: {  	[sflag:s0] =	ssyncadd.remote.s32 $0x1  }
0x35: {  	_ =	sfence.sel $0xFFFF  }
0x36: {  	[dreg:$0x0] =	wrdreg $0xFFFFFFFF;
	(pc) =	sbr.abs _section_cstart, $3  }
0x37: {  	[dreg:$0x1] =	wrdreg $0xFFFFFFFF  }
0x38: {  	_ =	task.clear_ibuf [dreg:s6], $0x2FFFF;
	_ =	strace $0x9FFFFFFF  }
0x39: {  	(tm) =	ssettm $0x7FFFFFFF  }
tec
execute0_lowered:
.L_overlay_start_1:
0x0: {  	(tag) =	ssettag $0x1  }
0x1: {  	s0 =	srdreg.scid  }
0x2: {  	s1 =	sshll.u32 s0, $0x4  }
0x3: {  	s4 =	rddreg [dreg:$0x0];
	s0 =	stileid.u32;
	s1 =	sand.u32 $0x10, s1  }
0x4: {  	s7 =	simm.s32 $0x1;
	s8 =	simm.s32 $0x2;
	s1 =	sor.u32 s0, s1  }
0x5: {  	s9 =	simm.s32 $0x0;
	s12 =	simm.s32 $0x0;
	s2 =	sshll.u32 s1, $0x1  }
0x6: {  	s11 =	simm.s32 $0x0;
	s3 =	sadd.s32 $0x3800, s4;
	s6 =	ssub.s32 $0x1800, s2  }
.Ltmp0:
0x7: {  	s4 =	sadd.s32 $0x6E3800, s4;
	s5 =	sand.u32 $0x3E, s6;
	(pc) =	sbr.rel .LBB1_1-.Ltmp0, $4  }
0x8: {  	s1 =	rddreg [dreg:$0x1];
	_ =	strace $0x80000047;
	p0 =	sne.s32 s5, $0x0  }
0x9: {  	s6 =	sshrl.u32 s6, $0x6;
	s5 =	simm.s32 $0x1;
	s7 =	simm.s32 @!p0 $0x0  }
0xa: {  	s10 =	smov.u32 s2;
	[sflag:s5] =	ssyncpa.u1 $0x0;
	s6 =	sadd.s32 s7, s6  }
0xb: {  	[sflag:s8] =	ssyncpa.u1 $0x0;
	s8 =	simm.s32 $0x0;
	s7 =	sadd.s32 $0x1, s6  }
.LBB1_9:
0xc: {  	s14 =	sadd.s32 $0x40, s10  }
0xd: {  	p1 =	sgt.s32 s14, $0x17FF  }
0xe: {  	s14 =	smov.u32 @p1 s2;
	p1 =	sne.s32 s11, s7  }
.Ltmp1:
0xf: {  	p0 =	slt.u32 s11, $0x2;
	(pc) =	sbr.rel @!p1 .LBB1_10-.Ltmp1, $4  }
0x10: {  	s13 =	simm.s32 @!p0 $0x2  }
0x11: {  	s15 =	sadd.s32 $0x1, s11;
	_ =	swait.ge @!p0 [sflag:s13], $0x4000  }
0x12: {  	s12 =	smov.u32 s10;
	s9 =	sadd.s32 $0x4000, s9;
	[sflag:s13] =	ssyncset.done @!p0 $0x0  }
0x13: {  	s11 =	smov.u32 s15;
	s10 =	smov.u32 s14;
	[sflag:s13] =	ssyncadd.s32 @!p0 $0xFFFFC000  }
.LBB1_1:
0x14: {  	p0 =	sge.u32 s11, s6  }
0x15: {  	s13 =	sxor.u32 @!p0 $0xFFFFFFFF, s11  }
0x16: {  	s31 =	sadd.s32 $0xFFFFFFFF, s11;
	s14 =	sshll.u32 @!p0 s10, $0xA;
	s13 =	sshll.u32 @!p0 s13, $0xE  }
0x17: {  	s15 =	simm.s32 @!p0 $0x0;
	s14 =	sadd.s32 @!p0 s3, s14;
	s13 =	sand.u32 @!p0 $0x4000, s13  }
0x18: {  	[tilespmem:s13], [sflag:$0x1] =	stream.linear.gather @!p0 [hbm4b:s14+s15], $0x4000, $0x38;
	[tilespmem:$0x10000] =	vst v63  }
0x19: {  	p0 =	sge.u32 s31, s6  }
.Ltmp2:
0x1a: {  	_ = 	snop;
	(pc) =	sbr.rel @p0 .LBB1_9-.Ltmp2, $1  }
0x1b: {  	_ =	sdelay $0x3  }
0x1c: {  	s13 =	sshll.u32 s9, $0x2  }
0x1d: {  	_ =	swait.ge [sflag:s5], $0x4000;
	s14 =	sshll.u32 s11, $0xE;
	s16 =	simm.s32 $0x0  }
0x1e: {  	p1 =	por $0x1, $0x1;
	s13 =	sand.u32 $0x10000, s13;
	[sflag:s5] =	ssyncset.done $0x0  }
0x1f: {  	s14 =	sand.u32 $0x4000, s14;
	s15 =	sshrl.u32 s13, $0x2;
	[sflag:s5] =	ssyncadd.s32 $0xFFFFC000  }
0x20: {  	s13 =	sor.u32 $0x8000, s14;
	s14 =	sadd.s32 $0x8040, s15;
	s15 =	sadd.s32 $0x40, s15  }
.LBB1_3:
0x21: {  	s16 =	sshll.u32 s16, $0x2  }
0x22: {  	p0 =	por p1, p1;
	s17 =	sshra.s32 s16, $0x2  }
0x23: {  	s18 =	simm.s32 $0x0;
	s16 =	sadd.s32 s17, s14;
	s17 =	sadd.s32 s17, s15  }
.LBB1_4:
0x24: {  	v0 =	vmov s17;
	_ =	sdelay $0x3  }
0x25: {  	s20 =	simm.s32 $0x0  }
0x26: {  	v6 =	vld.idx.msk [tilespmem:v0+s20+$0x30 ss:$0x1], $0xffff  }
0x27: {  	v7 =	vld.idx.msk [tilespmem:v0+s20+$0xFFFFFFC0 ss:$0x1], $0xffff  }
0x28: {  	v5 =	vld.idx.msk [tilespmem:v0+s20+$0xFFFFFFD0 ss:$0x1], $0xffff  }
0x29: {  	v4 =	vld.idx.msk [tilespmem:v0+s20+$0xFFFFFFE0 ss:$0x1], $0xffff  }
0x2a: {  	v3 =	vld.idx.msk [tilespmem:v0+s20+$0xFFFFFFF0 ss:$0x1], $0xffff  }
0x2b: {  	v1 =	vld.idx.msk [tilespmem:v0+s20+$0x0 ss:$0x1], $0xffff  }
0x2c: {  	v2 =	vld.idx.msk [tilespmem:v0+s20+$0x10 ss:$0x1], $0xffff;
	[tilespmem:s16+$0x30] =	vst v6  }
0x2d: {  	s19 =	simm.s32 $0x80;
	s21 =	simm.s32 $0x400;
	[tilespmem:s16+$0xFFFFFFC0] =	vst v7;
	v6 =	vld.idx.msk [tilespmem:v0+s20+$0x20 ss:$0x1], $0xffff;
	s20 =	smov.u32 s16  }
.LBB1_5:
0x2e: {  	p1 =	sne.s32 s21, $0xE00;
	v7 =	vld.idx.msk [tilespmem:v0+s19+$0x30 ss:$0x1], $0xffff;
	[tilespmem:s20+$0xFFFFFFD0] =	vst v5  }
0x2f: {  	v8 =	vld.idx.msk [tilespmem:v0+s19+$0xFFFFFFC0 ss:$0x1], $0xffff;
	[tilespmem:s20+$0xFFFFFFE0] =	vst v4  }
0x30: {  	v5 =	vld.idx.msk [tilespmem:v0+s19+$0xFFFFFFD0 ss:$0x1], $0xffff;
	[tilespmem:s20+$0xFFFFFFF0] =	vst v3  }
.Ltmp3:
0x31: {  	v4 =	vld.idx.msk [tilespmem:v0+s19+$0xFFFFFFE0 ss:$0x1], $0xffff;
	[tilespmem:s20+$0x0] =	vst v1;
	(pc) =	sbr.rel @p1 .LBB1_5-.Ltmp3, $4  }
0x32: {  	v3 =	vld.idx.msk [tilespmem:v0+s19+$0xFFFFFFF0 ss:$0x1], $0xffff;
	[tilespmem:s20+$0x10] =	vst v2  }
0x33: {  	v1 =	vld.idx.msk [tilespmem:v0+s19+$0x0 ss:$0x1], $0xffff;
	[tilespmem:s20+$0x20] =	vst v6;
	s20 =	sadd.s32 $0x400, s20  }
0x34: {  	v2 =	vld.idx.msk [tilespmem:v0+s19+$0x10 ss:$0x1], $0xffff;
	[tilespmem:s20+$0x30] =	vst v7  }
0x35: {  	[tilespmem:s20+$0xFFFFFFC0] =	vst v8;
	v6 =	vld.idx.msk [tilespmem:v0+s19+$0x20 ss:$0x1], $0xffff;
	s19 =	sshra.s32 s21, $0x2;
	s21 =	sadd.s32 $0x200, s21  }
0x36: {  	_ =	sdelay $0x2  }
0x37: {  	[tilespmem:s20+$0xFFFFFFD0] =	vst v5  }
0x38: {  	v56 =	vld.idx.msk [tilespmem:v0+s19+$0x30 ss:$0x1], $0xffff;
	[tilespmem:s20+$0xFFFFFFE0] =	vst v4  }
0x39: {  	v57 =	vld.idx.msk [tilespmem:v0+s19+$0xFFFFFFC0 ss:$0x1], $0xffff;
	[tilespmem:s20+$0xFFFFFFF0] =	vst v3  }
0x3a: {  	v58 =	vld.idx.msk [tilespmem:v0+s19+$0xFFFFFFD0 ss:$0x1], $0xffff;
	[tilespmem:s20+$0x0] =	vst v1  }
0x3b: {  	v59 =	vld.idx.msk [tilespmem:v0+s19+$0xFFFFFFE0 ss:$0x1], $0xffff;
	[tilespmem:s20+$0x10] =	vst v2  }
0x3c: {  	v60 =	vld.idx.msk [tilespmem:v0+s19+$0xFFFFFFF0 ss:$0x1], $0xffff;
	s31 =	sadd.s32 $0x400, s20;
	[tilespmem:s20+$0x20] =	vst v6  }
0x3d: {  	v61 =	vld.idx.msk [tilespmem:v0+s19+$0x0 ss:$0x1], $0xffff;
	[tilespmem:s31+$0x30] =	vst v56  }
0x3e: {  	v62 =	vld.idx.msk [tilespmem:v0+s19+$0x10 ss:$0x1], $0xffff;
	s18 =	sadd.s32 $0x1, s18;
	[tilespmem:s31+$0xFFFFFFC0] =	vst v57  }
0x3f: {  	v63 =	vld.idx.msk [tilespmem:v0+s19+$0x20 ss:$0x1], $0xffff;
	p1 =	sne.s32 s18, $0x8;
	[tilespmem:s31+$0xFFFFFFD0] =	vst v58  }
.Ltmp4:
0x40: {  	[tilespmem:s31+$0xFFFFFFE0] =	vst v59;
	(pc) =	sbr.rel @p1 .LBB1_4-.Ltmp4, $4  }
0x41: {  	[tilespmem:s31+$0xFFFFFFF0] =	vst v60  }
0x42: {  	[tilespmem:s31+$0x0] =	vst v61  }
0x43: {  	[tilespmem:s31+$0x10] =	vst v62  }
0x44: {  	s16 =	sadd.s32 $0x80, s16;
	s17 =	sadd.s32 $0x400, s17;
	[tilespmem:s31+$0x20] =	vst v63  }
.Ltmp5:
0x45: {  	(pc) =	sbr.rel @p0 .LBB1_3-.Ltmp5, $2  }
0x46: {  	_ =	sdelay $0x2  }
0x47: {  	s16 =	simm.s32 $0x2000;
	p1 =	por $0x0, $0x0  }
.Ltmp6:
0x48: {  	(pc) =	sbr.rel .LBB1_9-.Ltmp6, $4  }
0x49: {  	_ = 	snop  }
0x4a: {  	s12 =	sshll.u32 s12, $0xA  }
0x4b: {  	s12 =	sadd.s32 s4, s12  }
0x4c: {  	[hbm4b:s12+s8] =	stream.linear.scatter [tilespmem:s13], [sflag:$0x2], $0x4000, $0x38;
	[tilespmem:$0x10000] =	vst v63  }
.LBB1_10:
0x4d: {  	_ =	sfence.sel $0x180000  }
0x4e: {  	s2 =	simm.s32 $0x1;
	[bflag:$0x0] =	sbarrier.arrive $0xFFFF  }
0x4f: {  	s31 =	simm.s32 $0x2;
	[sflag:s2] =	ssyncpa.u1 $0x1  }
0x50: {  	[sflag:s31] =	ssyncpa.u1 $0x1  }
0x51: {  	p0 =	sne.s32 s0, $0x0;
	_ =	strace $0x90000047  }
0x52: {  	s0 =	sadd.s32 @!p0 $0x100000, s1;
	[bflag:$0x2] =	sbarrier.arrive $0xFFFF  }
0x53: {  	[sflag:s0] =	ssyncadd.tile.s32 @!p0 $0x1;
	_ =	shalt  }
.Lfunc_end1:
_tile_overlayer_lowered:
.L_overlay_start_2:
0x54: {  	(tag) =	ssettag $0x2  }
0x55: {  	s0 =	rddreg [dreg:$0x0];
	s2 =	stileid.u32  }
0x56: {  	s1 =	rddreg [dreg:$0x1];
	p0 =	sne.s32 s2, $0x0  }
0x57: {  	s3 =	rddreg [dreg:$0x2];
	[bflag:$0x3] =	sbarrier.arrive $0xFFFF;
	s2 =	simm.s32 @!p0 $0x1C01  }
0x58: {  	[timem:s3], [sflag:s2] =	dma.local @!p0 [hbm:s0], s1  }
0x59: {  	s0 =	simm.s32 @!p0 $0x1  }
0x5a: {  	_ =	swait.ge @!p0 [sflag:s0], s1  }
0x5b: {  	s1 =	ssub.s32 @!p0 $0x0, s1;
	[sflag:s0] =	ssyncset.done @!p0 $0x0  }
0x5c: {  	[sflag:s0] =	ssyncadd.s32 @!p0 s1  }
0x5d: {  	[bflag:$0x3] =	sbarrier.arrive $0xFFFF  }
0x5e: {  	_ =	shalt  }

</sc_bundles>
